<compile_context>
chip_gen: v7x
topology: tpu7x:2x2x1
jax: 0.10.2.dev20260603
libtpu: 0.0.44.dev20260713+nightly
codegen_flags: <defaults>
</compile_context>

<pallas_src>
import functools

import jax
import jax.numpy as jnp
from jax import lax
from jax.experimental import pallas as pl
from jax.experimental.pallas import tpu as pltpu
from jax.experimental.pallas import tpu_sc as plsc

B, N, D, DO, H, K = 4, 2048, 256, 256, 4, 16
HD = DO // H

R1 = 256
R2 = 512
R4 = 128
RK = R4 * K


def _knn_body(xr_ref, xat_ref, idx_ref):
    b = pl.program_id(0)
    xr = xr_ref[0]
    xat = xat_ref[0]
    x2r = jnp.sum(xr * xr, axis=1, keepdims=True)
    x2a = jnp.sum(xat * xat, axis=0, keepdims=True)
    d2 = x2r + x2a - 2.0 * jnp.dot(xr, xat, preferred_element_type=jnp.float32)
    iota = lax.broadcasted_iota(jnp.int32, (R1, N), 1)
    cols = []
    for _ in range(K):
        m = jnp.min(d2, axis=1, keepdims=True)
        sel = jnp.where(d2 == m, iota, N)
        idx = jnp.min(sel, axis=1, keepdims=True)
        cols.append(idx)
        d2 = jnp.where(iota == idx, jnp.float32(jnp.inf), d2)
    idx_ref[0] = jnp.concatenate(cols, axis=1) + b * N


def _knn(xyz8, xyz8t):
    return pl.pallas_call(
        _knn_body,
        grid=(B, N // R1),
        in_specs=[
            pl.BlockSpec((1, R1, 8), lambda b, i: (b, i, 0)),
            pl.BlockSpec((1, 8, N), lambda b, i: (b, 0, 0)),
        ],
        out_specs=pl.BlockSpec((1, R1, K), lambda b, i: (b, i, 0)),
        out_shape=jax.ShapeDtypeStruct((B, N, K), jnp.int32),
    )(xyz8, xyz8t)


def _proj_body(f_ref, wq_ref, bq_ref, wk_ref, bk_ref, wv_ref, bv_ref,
               g1_ref, be1_ref, q_ref, kv_ref, skip_ref):
    f = f_ref[0]
    q = jnp.dot(f, wq_ref[...], preferred_element_type=jnp.float32) + bq_ref[...]
    kk = jnp.dot(f, wk_ref[...], preferred_element_type=jnp.float32) + bk_ref[...]
    vv = jnp.dot(f, wv_ref[...], preferred_element_type=jnp.float32) + bv_ref[...]
    mu = jnp.mean(f, axis=1, keepdims=True)
    var = jnp.mean((f - mu) ** 2, axis=1, keepdims=True)
    ln = (f - mu) / jnp.sqrt(var + 1e-5) * g1_ref[...] + be1_ref[...]
    skip = jnp.dot(ln, wq_ref[...], preferred_element_type=jnp.float32) + bq_ref[...]
    q_ref[0] = q
    kv_ref[0] = jnp.concatenate([kk, vv], axis=1)
    skip_ref[0] = skip


def _proj(features, Wq, bq, Wk, bk, Wv, bv, g1, be1):
    full = lambda shape: pl.BlockSpec(shape, lambda b, i: tuple(0 for _ in shape))
    return pl.pallas_call(
        _proj_body,
        grid=(B, N // R2),
        in_specs=[
            pl.BlockSpec((1, R2, D), lambda b, i: (b, i, 0)),
            full((D, DO)), full((1, DO)), full((D, DO)), full((1, DO)),
            full((D, DO)), full((1, DO)), full((1, D)), full((1, D)),
        ],
        out_specs=[
            pl.BlockSpec((1, R2, DO), lambda b, i: (b, i, 0)),
            pl.BlockSpec((1, R2, 2 * DO), lambda b, i: (b, i, 0)),
            pl.BlockSpec((1, R2, DO), lambda b, i: (b, i, 0)),
        ],
        out_shape=[
            jax.ShapeDtypeStruct((B, N, DO), jnp.float32),
            jax.ShapeDtypeStruct((B, N, 2 * DO), jnp.float32),
            jax.ShapeDtypeStruct((B, N, DO), jnp.float32),
        ],
    )(features, Wq, bq, Wk, bk, Wv, bv, g1, be1)


ROWS = B * N * K
_info = plsc.get_sparse_core_info()
NC, NS = _info.num_cores, _info.num_subcores
NW = NC * NS
PER_W = ROWS // NW
CHUNK = 64
NCH = PER_W // CHUNK


@functools.partial(
    pl.kernel,
    mesh=plsc.VectorSubcoreMesh(core_axis_name="c", subcore_axis_name="s"),
    out_type=[
        jax.ShapeDtypeStruct((ROWS, 2 * DO), jnp.float32),
        jax.ShapeDtypeStruct((ROWS,), jnp.float32),
        jax.ShapeDtypeStruct((ROWS,), jnp.float32),
        jax.ShapeDtypeStruct((ROWS,), jnp.float32),
    ],
    scratch_types=[
        pltpu.VMEM((CHUNK,), jnp.int32),
        pltpu.VMEM((CHUNK,), jnp.int32),
        pltpu.VMEM((CHUNK, 2 * DO), jnp.float32),
        pltpu.VMEM((CHUNK, 2 * DO), jnp.float32),
        pltpu.VMEM((CHUNK,), jnp.float32),
        pltpu.VMEM((CHUNK,), jnp.float32),
        pltpu.VMEM((CHUNK,), jnp.float32),
        pltpu.VMEM((CHUNK,), jnp.float32),
        pltpu.VMEM((CHUNK,), jnp.float32),
        pltpu.VMEM((CHUNK,), jnp.float32),
        pltpu.SemaphoreType.DMA,
        pltpu.SemaphoreType.DMA,
        pltpu.SemaphoreType.DMA,
        pltpu.SemaphoreType.DMA,
    ],
)
def _sc_gather(idx_hbm, kv_hbm, xs_hbm, ys_hbm, zs_hbm,
               okv_hbm, oxs_hbm, oys_hbm, ozs_hbm,
               idx0, idx1, kvb0, kvb1, xg0, xg1, yg0, yg1, zg0, zg1,
               gs0, gs1, os0, os1):
    wid = lax.axis_index("s") * NC + lax.axis_index("c")
    base = wid * PER_W

    def outs(off, kvb, xg, yg, zg, osem):
        return (
            pltpu.make_async_copy(kvb, okv_hbm.at[pl.ds(off, CHUNK)], osem),
            pltpu.make_async_copy(xg, oxs_hbm.at[pl.ds(off, CHUNK)], osem),
            pltpu.make_async_copy(yg, oys_hbm.at[pl.ds(off, CHUNK)], osem),
            pltpu.make_async_copy(zg, ozs_hbm.at[pl.ds(off, CHUNK)], osem),
        )

    def slot(i, s, idxc, kvb, xg, yg, zg, gsem, osem):
        off = base + (2 * i + s) * CHUNK

        @pl.when(i > 0)
        def _drain():
            for cp in outs(off, kvb, xg, yg, zg, osem):
                cp.wait()

        pltpu.sync_copy(idx_hbm.at[pl.ds(off, CHUNK)], idxc)
        cps = (
            pltpu.async_copy(kv_hbm.at[idxc], kvb, gsem),
            pltpu.async_copy(xs_hbm.at[idxc], xg, gsem),
            pltpu.async_copy(ys_hbm.at[idxc], yg, gsem),
            pltpu.async_copy(zs_hbm.at[idxc], zg, gsem),
        )
        return cps, off

    def finish(cps, off, kvb, xg, yg, zg, osem):
        for cp in cps:
            cp.wait()
        for cp in outs(off, kvb, xg, yg, zg, osem):
            cp.start()

    def body(i, carry):
        cps0, off0 = slot(i, 0, idx0, kvb0, xg0, yg0, zg0, gs0, os0)
        cps1, off1 = slot(i, 1, idx1, kvb1, xg1, yg1, zg1, gs1, os1)
        finish(cps0, off0, kvb0, xg0, yg0, zg0, os0)
        finish(cps1, off1, kvb1, xg1, yg1, zg1, os1)
        return carry

    lax.fori_loop(0, NCH // 2, body, 0)
    for cp in outs(base, kvb0, xg0, yg0, zg0, os0):
        cp.wait()
    for cp in outs(base, kvb1, xg1, yg1, zg1, os1):
        cp.wait()


def _attn_body(q_ref, kv_ref, xg_ref, yg_ref, zg_ref, xc_ref, skip_ref,
               p1w_ref, p1b_ref, p2w_ref, p2b_ref,
               f1w_ref, f1b_ref, f2w_ref, f2b_ref, g2_ref, be2_ref,
               out_ref, attn_ref):
    q2 = q_ref[0]
    kv = kv_ref[0]
    xc = xc_ref[0]

    p1w = p1w_ref[...]
    h1 = (xg_ref[0] - xc[:, 0:1])[:, :, None] * p1w[0:1, :][None]
    h1 = h1 + (yg_ref[0] - xc[:, 1:2])[:, :, None] * p1w[1:2, :][None]
    h1 = h1 + (zg_ref[0] - xc[:, 2:3])[:, :, None] * p1w[2:3, :][None]
    h1 = jnp.maximum(h1 + p1b_ref[...][None], 0.0)
    pos = (jnp.dot(h1.reshape(RK, HD), p2w_ref[...],
                   preferred_element_type=jnp.float32) + p2b_ref[...])
    pos3 = pos.reshape(R4, K, HD)

    outs, attns = [], []
    for h in range(H):
        qh = q2[:, HD * h:HD * (h + 1)]
        kh = kv[:, HD * h:HD * (h + 1)].reshape(R4, K, HD)
        vh = kv[:, DO + HD * h:DO + HD * (h + 1)].reshape(R4, K, HD)
        lg = jnp.sum(qh[:, None, :] * (kh + pos3), axis=2) / (HD ** 0.5)
        mx = jnp.max(lg, axis=1, keepdims=True)
        e = jnp.exp(lg - mx)
        aw = e / jnp.sum(e, axis=1, keepdims=True)
        attns.append(aw)
        outs.append(jnp.sum(aw[:, :, None] * (vh + pos3), axis=1))

    o = jnp.concatenate(outs, axis=1)
    y = jnp.maximum(jnp.dot(o, f1w_ref[...], preferred_element_type=jnp.float32)
                    + f1b_ref[...], 0.0)
    y = jnp.dot(y, f2w_ref[...], preferred_element_type=jnp.float32) + f2b_ref[...]
    mu = jnp.mean(y, axis=1, keepdims=True)
    var = jnp.mean((y - mu) ** 2, axis=1, keepdims=True)
    y = (y - mu) / jnp.sqrt(var + 1e-5) * g2_ref[...] + be2_ref[...]
    out_ref[0] = y + skip_ref[0]
    attn_ref[0] = jnp.stack(attns, axis=0)


def _attn(q, kvg, xs3, ys3, zs3, xyz16, skip, P1p, p1, P2, p2, F1, f1, F2, f2, g2, be2):
    full = lambda shape: pl.BlockSpec(shape, lambda b, i: tuple(0 for _ in shape))
    return pl.pallas_call(
        _attn_body,
        grid=(B, N // R4),
        in_specs=[
            pl.BlockSpec((1, R4, DO), lambda b, i: (b, i, 0)),
            pl.BlockSpec((1, RK, 2 * DO), lambda b, i: (b, i, 0)),
            pl.BlockSpec((1, R4, K), lambda b, i: (b, i, 0)),
            pl.BlockSpec((1, R4, K), lambda b, i: (b, i, 0)),
            pl.BlockSpec((1, R4, K), lambda b, i: (b, i, 0)),
            pl.BlockSpec((1, R4, 16), lambda b, i: (b, i, 0)),
            pl.BlockSpec((1, R4, DO), lambda b, i: (b, i, 0)),
            full((16, HD)), full((1, HD)), full((HD, HD)), full((1, HD)),
            full((D, DO)), full((1, DO)), full((DO, DO)), full((1, DO)),
            full((1, DO)), full((1, DO)),
        ],
        out_specs=[
            pl.BlockSpec((1, R4, DO), lambda b, i: (b, i, 0)),
            pl.BlockSpec((1, H, R4, K), lambda b, i: (b, 0, i, 0)),
        ],
        out_shape=[
            jax.ShapeDtypeStruct((B, N, DO), jnp.float32),
            jax.ShapeDtypeStruct((B, H, N, K), jnp.float32),
        ],
    )(q, kvg, xs3, ys3, zs3, xyz16, skip, P1p, p1, P2, p2, F1, f1, F2, f2, g2, be2)


def kernel(xyz, features, Wq, bq, Wk, bk, Wv, bv, P1, p1, P2, p2,
           F1, f1, F2, f2, g1, be1, g2, be2):
    xyz8 = jnp.pad(xyz, ((0, 0), (0, 0), (0, 5)))
    xyz8t = jnp.transpose(xyz8, (0, 2, 1))
    xyz16 = jnp.pad(xyz, ((0, 0), (0, 0), (0, 13)))
    P1p = jnp.pad(P1, ((0, 13), (0, 0)))

    idxg = _knn(xyz8, xyz8t)
    q, kv, skip = _proj(features, Wq, bq.reshape(1, DO), Wk, bk.reshape(1, DO),
                        Wv, bv.reshape(1, DO), g1.reshape(1, D), be1.reshape(1, D))

    xyzt = jnp.transpose(xyz, (2, 0, 1)).reshape(3, B * N)
    kvg, gxs, gys, gzs = _sc_gather(idxg.reshape(ROWS),
                                    kv.reshape(B * N, 2 * DO),
                                    xyzt[0], xyzt[1], xyzt[2])

    out, attn = _attn(q, kvg.reshape(B, N * K, 2 * DO),
                      gxs.reshape(B, N, K), gys.reshape(B, N, K),
                      gzs.reshape(B, N, K),
                      xyz16, skip, P1p, p1.reshape(1, HD), P2, p2.reshape(1, HD),
                      F1, f1.reshape(1, DO), F2, f2.reshape(1, DO),
                      g2.reshape(1, DO), be2.reshape(1, DO))
    return (out, attn)

# --- scband reference (transcript-rebuilt; emitter-appended) ---
"""Pipeline reference for scband-multi-head-transformer-block-77352361001562 (READ-ONLY COPY).

The authoritative reference and input builder live on the scoring server;
editing this copy changes nothing except your own understanding.
"""

import jax, jax.numpy as jnp
import numpy as np

B, N, D, DO, H, K = 4, 2048, 256, 256, 4, 16
HD = DO // H


def _ln(x, g, b, eps=1e-5):
    mu = jnp.mean(x, axis=-1, keepdims=True)
    var = jnp.mean((x - mu) ** 2, axis=-1, keepdims=True)
    return (x - mu) / jnp.sqrt(var + eps) * g + b


def setup_inputs(seed: int = 0) -> dict:
    key = jax.random.key(seed)
    ks = jax.random.split(key, 16)

    def w(k, fi, fo):
        return jax.random.normal(k, (fi, fo), dtype=jnp.float32) / np.sqrt(fi)

    return {
        "xyz": jax.random.uniform(ks[0], (B, N, 3), dtype=jnp.float32),
        "features": jax.random.normal(ks[1], (B, N, D), dtype=jnp.float32),
        "Wq": w(ks[2], D, DO), "bq": jnp.zeros((DO,), jnp.float32),
        "Wk": w(ks[3], D, DO), "bk": jnp.zeros((DO,), jnp.float32),
        "Wv": w(ks[4], D, DO), "bv": jnp.zeros((DO,), jnp.float32),
        "P1": w(ks[5], 3, HD), "p1": jnp.zeros((HD,), jnp.float32),
        "P2": w(ks[6], HD, HD), "p2": jnp.zeros((HD,), jnp.float32),
        "F1": w(ks[7], DO, DO), "f1": jnp.zeros((DO,), jnp.float32),
        "F2": w(ks[8], DO, DO), "f2": jnp.zeros((DO,), jnp.float32),
        "g1": jnp.ones((D,), jnp.float32), "be1": jnp.zeros((D,), jnp.float32),
        "g2": jnp.ones((DO,), jnp.float32), "be2": jnp.zeros((DO,), jnp.float32),
    }


def reference(xyz, features, Wq, bq, Wk, bk, Wv, bv, P1, p1, P2, p2, F1, f1, F2, f2, g1, be1, g2, be2):
    # pairwise squared distances (monotonic in true cdist -> same kNN indices)
    x2 = jnp.sum(xyz * xyz, axis=-1)
    d2 = x2[:, :, None] + x2[:, None, :] - 2.0 * jnp.einsum('bnd,bmd->bnm', xyz, xyz)
    _, knn_idx = jax.lax.top_k(-d2, K)  # k smallest distances, [B, N, K]
    gather = jax.vmap(lambda arr, idx: arr[idx])
    neighbor_xyz = gather(xyz, knn_idx)            # [B, N, K, 3]
    rel = neighbor_xyz - xyz[:, :, None, :]
    pos = jnp.maximum(rel @ P1 + p1, 0.0) @ P2 + p2  # [B, N, K, HD]
    q = (features @ Wq + bq).reshape(B, N, H, HD)
    nf = gather(features, knn_idx)                 # [B, N, K, D]
    kk = (nf @ Wk + bk).reshape(B, N, K, H, HD)
    vv = (nf @ Wv + bv).reshape(B, N, K, H, HD)
    posb = pos[:, :, :, None, :]
    attn = jnp.sum(q[:, :, None, :, :] * (kk + posb), axis=-1) / (HD ** 0.5)  # [B, N, K, H]
    attn = jax.nn.softmax(attn, axis=2)
    out = jnp.sum(attn[..., None] * (vv + posb), axis=2).reshape(B, N, DO)
    out = _ln(jnp.maximum(out @ F1 + f1, 0.0) @ F2 + f2, g2, be2) + (_ln(features, g1, be1) @ Wq + bq)
    return (out, jnp.transpose(attn, (0, 3, 1, 2)))

if __name__ == "__main__":
    import jax
    _d = setup_inputs()
    print(jax.jit(kernel)(*tuple(_d.values())))

</pallas_src>

<mosaic_0001>
#map = affine_map<(d0, d1) -> (0)>
#map1 = affine_map<(d0, d1) -> (0, 0)>
module attributes {stable_mosaic.version = 14 : i64} {
  func.func @_sc_gather(%arg0: i32, %arg1: i32, %arg2: memref<131072xi32, #tpu.memory_space<hbm>>, %arg3: memref<8192x512xf32, #tpu.memory_space<hbm>>, %arg4: memref<8192xf32, #tpu.memory_space<hbm>>, %arg5: memref<8192xf32, #tpu.memory_space<hbm>>, %arg6: memref<8192xf32, #tpu.memory_space<hbm>>, %arg7: memref<131072x512xf32, #tpu.memory_space<hbm>>, %arg8: memref<131072xf32, #tpu.memory_space<hbm>>, %arg9: memref<131072xf32, #tpu.memory_space<hbm>>, %arg10: memref<131072xf32, #tpu.memory_space<hbm>>, %arg11: memref<64xi32, #tpu.memory_space<vmem>>, %arg12: memref<64xi32, #tpu.memory_space<vmem>>, %arg13: memref<64x512xf32, #tpu.memory_space<vmem>>, %arg14: memref<64x512xf32, #tpu.memory_space<vmem>>, %arg15: memref<64xf32, #tpu.memory_space<vmem>>, %arg16: memref<64xf32, #tpu.memory_space<vmem>>, %arg17: memref<64xf32, #tpu.memory_space<vmem>>, %arg18: memref<64xf32, #tpu.memory_space<vmem>>, %arg19: memref<64xf32, #tpu.memory_space<vmem>>, %arg20: memref<64xf32, #tpu.memory_space<vmem>>, %arg21: memref<!tpu.dma_semaphore, #tpu.memory_space<semaphore_mem>>, %arg22: memref<!tpu.dma_semaphore, #tpu.memory_space<semaphore_mem>>, %arg23: memref<!tpu.dma_semaphore, #tpu.memory_space<semaphore_mem>>, %arg24: memref<!tpu.dma_semaphore, #tpu.memory_space<semaphore_mem>>) attributes {dimension_semantics = [#tpu.dimension_semantics<core_parallel>, #tpu.dimension_semantics<subcore_parallel>], iteration_bounds = array<i64: 2, 16>, scalar_prefetch = 0 : i64, scratch_operands = 14 : i64, tpu.core_type = #tpu.core_type<sc_vector_subcore>, window_params = [{transform_indices = #map}, {transform_indices = #map1}, {transform_indices = #map}, {transform_indices = #map}, {transform_indices = #map}, {transform_indices = #map1}, {transform_indices = #map}, {transform_indices = #map}, {transform_indices = #map}]} {
    %mul3A = arith.constant 2 : i32
    %mul3A_0 = arith.muli %arg1, %mul3A : i32
    %add3A = arith.addi %mul3A_0, %arg0 : i32
    %mul3A_1 = arith.constant 4096 : i32
    %mul3A_2 = arith.muli %add3A, %mul3A_1 : i32
    %scan3A = arith.constant 0 : i32
    %scan3A_3 = arith.constant 0 : i32
    %scan3A_4 = arith.constant 32 : i32
    %scan3A_5 = arith.addi %scan3A_3, %scan3A_4 : i32
    %scan3A_6 = arith.constant 1 : i32
    scf.for %scan3A_27 = %scan3A_3 to %scan3A_5 step %scan3A_6  : i32 {
      %mul3A_28 = arith.constant 2 : i32
      %mul3A_29 = arith.muli %mul3A_28, %scan3A_27 : i32
      %add3A_30 = arith.constant 0 : i32
      %add3A_31 = arith.addi %mul3A_29, %add3A_30 : i32
      %mul3A_32 = arith.constant 64 : i32
      %mul3A_33 = arith.muli %add3A_31, %mul3A_32 : i32
      %add3A_34 = arith.addi %mul3A_2, %mul3A_33 : i32
      %gt3A = arith.constant 0 : i32
      %gt3A_35 = arith.cmpi sgt, %scan3A_27, %gt3A : i32
      %convert_element_type3A = arith.extui %gt3A_35 : i1 to i32
      %cond3A = arith.constant 0 : i32
      %cond3A_36 = arith.cmpi ne, %convert_element_type3A, %cond3A : i32
      scf.if %cond3A_36 {
        %dma_wait3A_104 = arith.constant 0 : i32
        %dma_wait3A_105 = tpu.memref_slice %arg7[%add3A_34, %dma_wait3A_104] : memref<131072x512xf32, #tpu.memory_space<hbm>> -> memref<64x512xf32, #tpu.memory_space<hbm>>
        %dma_wait3A_106 = arith.constant 0 : i32
        %dma_wait3A_107 = tpu.memref_slice %arg7[%add3A_34, %dma_wait3A_106] : memref<131072x512xf32, #tpu.memory_space<hbm>> -> memref<64x512xf32, #tpu.memory_space<hbm>>
        tpu.wait_dma2 semaphore(%arg23 : memref<!tpu.dma_semaphore, #tpu.memory_space<semaphore_mem>>) src(%arg13 : memref<64x512xf32, #tpu.memory_space<vmem>>) dst(%dma_wait3A_107 : memref<64x512xf32, #tpu.memory_space<hbm>>)
        %dma_wait3A_108 = tpu.memref_slice %arg8[%add3A_34] : memref<131072xf32, #tpu.memory_space<hbm>> -> memref<64xf32, #tpu.memory_space<hbm>>
        %dma_wait3A_109 = tpu.memref_slice %arg8[%add3A_34] : memref<131072xf32, #tpu.memory_space<hbm>> -> memref<64xf32, #tpu.memory_space<hbm>>
        tpu.wait_dma2 semaphore(%arg23 : memref<!tpu.dma_semaphore, #tpu.memory_space<semaphore_mem>>) src(%arg15 : memref<64xf32, #tpu.memory_space<vmem>>) dst(%dma_wait3A_109 : memref<64xf32, #tpu.memory_space<hbm>>)
        %dma_wait3A_110 = tpu.memref_slice %arg9[%add3A_34] : memref<131072xf32, #tpu.memory_space<hbm>> -> memref<64xf32, #tpu.memory_space<hbm>>
        %dma_wait3A_111 = tpu.memref_slice %arg9[%add3A_34] : memref<131072xf32, #tpu.memory_space<hbm>> -> memref<64xf32, #tpu.memory_space<hbm>>
        tpu.wait_dma2 semaphore(%arg23 : memref<!tpu.dma_semaphore, #tpu.memory_space<semaphore_mem>>) src(%arg17 : memref<64xf32, #tpu.memory_space<vmem>>) dst(%dma_wait3A_111 : memref<64xf32, #tpu.memory_space<hbm>>)
        %dma_wait3A_112 = tpu.memref_slice %arg10[%add3A_34] : memref<131072xf32, #tpu.memory_space<hbm>> -> memref<64xf32, #tpu.memory_space<hbm>>
        %dma_wait3A_113 = tpu.memref_slice %arg10[%add3A_34] : memref<131072xf32, #tpu.memory_space<hbm>> -> memref<64xf32, #tpu.memory_space<hbm>>
        tpu.wait_dma2 semaphore(%arg23 : memref<!tpu.dma_semaphore, #tpu.memory_space<semaphore_mem>>) src(%arg19 : memref<64xf32, #tpu.memory_space<vmem>>) dst(%dma_wait3A_113 : memref<64xf32, #tpu.memory_space<hbm>>)
      } else {
      }
      "tpu.region"() ({
        %run_scoped3A = tpu.sem_alloc : memref<!tpu.dma_semaphore, #tpu.memory_space<semaphore_mem>>
        %dma_start3A_104 = tpu.memref_slice %arg2[%add3A_34] : memref<131072xi32, #tpu.memory_space<hbm>> -> memref<64xi32, #tpu.memory_space<hbm>>
        %dma_start3A_105 = tpu.memref_slice %arg2[%add3A_34] : memref<131072xi32, #tpu.memory_space<hbm>> -> memref<64xi32, #tpu.memory_space<hbm>>
        tpu.enqueue_dma source(%dma_start3A_105 : memref<64xi32, #tpu.memory_space<hbm>>) target(%arg11 : memref<64xi32, #tpu.memory_space<vmem>>) target_semaphore(%run_scoped3A : memref<!tpu.dma_semaphore, #tpu.memory_space<semaphore_mem>>)
        %dma_wait3A_106 = tpu.memref_slice %arg2[%add3A_34] : memref<131072xi32, #tpu.memory_space<hbm>> -> memref<64xi32, #tpu.memory_space<hbm>>
        %dma_wait3A_107 = tpu.memref_slice %arg2[%add3A_34] : memref<131072xi32, #tpu.memory_space<hbm>> -> memref<64xi32, #tpu.memory_space<hbm>>
        tpu.wait_dma2 semaphore(%run_scoped3A : memref<!tpu.dma_semaphore, #tpu.memory_space<semaphore_mem>>) src(%dma_wait3A_107 : memref<64xi32, #tpu.memory_space<hbm>>) dst(%arg11 : memref<64xi32, #tpu.memory_space<vmem>>)
        tpu.yield
      }) : () -> ()
      %dma_start3A = arith.constant 0 : i32
      %dma_start3A_37 = arith.constant 0 : i32
      %dma_start3A_38 = tpu.memref_slice %arg3[%dma_start3A, %dma_start3A_37] : memref<8192x512xf32, #tpu.memory_space<hbm>> -> memref<8192x512xf32, #tpu.memory_space<hbm>>
      tpu.enqueue_indirect_dma source(%dma_start3A_38 : memref<8192x512xf32, #tpu.memory_space<hbm>>) target(%arg13 : memref<64x512xf32, #tpu.memory_space<vmem>>) offsets(%arg11 : memref<64xi32, #tpu.memory_space<vmem>>) semaphore(%arg21 : memref<!tpu.dma_semaphore, #tpu.memory_space<semaphore_mem>>)
      %dma_start3A_39 = arith.constant 0 : i32
      %dma_start3A_40 = tpu.memref_slice %arg4[%dma_start3A_39] : memref<8192xf32, #tpu.memory_space<hbm>> -> memref<8192xf32, #tpu.memory_space<hbm>>
      tpu.enqueue_indirect_dma source(%dma_start3A_40 : memref<8192xf32, #tpu.memory_space<hbm>>) target(%arg15 : memref<64xf32, #tpu.memory_space<vmem>>) offsets(%arg11 : memref<64xi32, #tpu.memory_space<vmem>>) semaphore(%arg21 : memref<!tpu.dma_semaphore, #tpu.memory_space<semaphore_mem>>)
      %dma_start3A_41 = arith.constant 0 : i32
      %dma_start3A_42 = tpu.memref_slice %arg5[%dma_start3A_41] : memref<8192xf32, #tpu.memory_space<hbm>> -> memref<8192xf32, #tpu.memory_space<hbm>>
      tpu.enqueue_indirect_dma source(%dma_start3A_42 : memref<8192xf32, #tpu.memory_space<hbm>>) target(%arg17 : memref<64xf32, #tpu.memory_space<vmem>>) offsets(%arg11 : memref<64xi32, #tpu.memory_space<vmem>>) semaphore(%arg21 : memref<!tpu.dma_semaphore, #tpu.memory_space<semaphore_mem>>)
      %dma_start3A_43 = arith.constant 0 : i32
      %dma_start3A_44 = tpu.memref_slice %arg6[%dma_start3A_43] : memref<8192xf32, #tpu.memory_space<hbm>> -> memref<8192xf32, #tpu.memory_space<hbm>>
      tpu.enqueue_indirect_dma source(%dma_start3A_44 : memref<8192xf32, #tpu.memory_space<hbm>>) target(%arg19 : memref<64xf32, #tpu.memory_space<vmem>>) offsets(%arg11 : memref<64xi32, #tpu.memory_space<vmem>>) semaphore(%arg21 : memref<!tpu.dma_semaphore, #tpu.memory_space<semaphore_mem>>)
      %mul3A_45 = arith.constant 2 : i32
      %mul3A_46 = arith.muli %mul3A_45, %scan3A_27 : i32
      %add3A_47 = arith.constant 1 : i32
      %add3A_48 = arith.addi %mul3A_46, %add3A_47 : i32
      %mul3A_49 = arith.constant 64 : i32
      %mul3A_50 = arith.muli %add3A_48, %mul3A_49 : i32
      %add3A_51 = arith.addi %mul3A_2, %mul3A_50 : i32
      %gt3A_52 = arith.constant 0 : i32
      %gt3A_53 = arith.cmpi sgt, %scan3A_27, %gt3A_52 : i32
      %convert_element_type3A_54 = arith.extui %gt3A_53 : i1 to i32
      %cond3A_55 = arith.constant 0 : i32
      %cond3A_56 = arith.cmpi ne, %convert_element_type3A_54, %cond3A_55 : i32
      scf.if %cond3A_56 {
        %dma_wait3A_104 = arith.constant 0 : i32
        %dma_wait3A_105 = tpu.memref_slice %arg7[%add3A_51, %dma_wait3A_104] : memref<131072x512xf32, #tpu.memory_space<hbm>> -> memref<64x512xf32, #tpu.memory_space<hbm>>
        %dma_wait3A_106 = arith.constant 0 : i32
        %dma_wait3A_107 = tpu.memref_slice %arg7[%add3A_51, %dma_wait3A_106] : memref<131072x512xf32, #tpu.memory_space<hbm>> -> memref<64x512xf32, #tpu.memory_space<hbm>>
        tpu.wait_dma2 semaphore(%arg24 : memref<!tpu.dma_semaphore, #tpu.memory_space<semaphore_mem>>) src(%arg14 : memref<64x512xf32, #tpu.memory_space<vmem>>) dst(%dma_wait3A_107 : memref<64x512xf32, #tpu.memory_space<hbm>>)
        %dma_wait3A_108 = tpu.memref_slice %arg8[%add3A_51] : memref<131072xf32, #tpu.memory_space<hbm>> -> memref<64xf32, #tpu.memory_space<hbm>>
        %dma_wait3A_109 = tpu.memref_slice %arg8[%add3A_51] : memref<131072xf32, #tpu.memory_space<hbm>> -> memref<64xf32, #tpu.memory_space<hbm>>
        tpu.wait_dma2 semaphore(%arg24 : memref<!tpu.dma_semaphore, #tpu.memory_space<semaphore_mem>>) src(%arg16 : memref<64xf32, #tpu.memory_space<vmem>>) dst(%dma_wait3A_109 : memref<64xf32, #tpu.memory_space<hbm>>)
        %dma_wait3A_110 = tpu.memref_slice %arg9[%add3A_51] : memref<131072xf32, #tpu.memory_space<hbm>> -> memref<64xf32, #tpu.memory_space<hbm>>
        %dma_wait3A_111 = tpu.memref_slice %arg9[%add3A_51] : memref<131072xf32, #tpu.memory_space<hbm>> -> memref<64xf32, #tpu.memory_space<hbm>>
        tpu.wait_dma2 semaphore(%arg24 : memref<!tpu.dma_semaphore, #tpu.memory_space<semaphore_mem>>) src(%arg18 : memref<64xf32, #tpu.memory_space<vmem>>) dst(%dma_wait3A_111 : memref<64xf32, #tpu.memory_space<hbm>>)
        %dma_wait3A_112 = tpu.memref_slice %arg10[%add3A_51] : memref<131072xf32, #tpu.memory_space<hbm>> -> memref<64xf32, #tpu.memory_space<hbm>>
        %dma_wait3A_113 = tpu.memref_slice %arg10[%add3A_51] : memref<131072xf32, #tpu.memory_space<hbm>> -> memref<64xf32, #tpu.memory_space<hbm>>
        tpu.wait_dma2 semaphore(%arg24 : memref<!tpu.dma_semaphore, #tpu.memory_space<semaphore_mem>>) src(%arg20 : memref<64xf32, #tpu.memory_space<vmem>>) dst(%dma_wait3A_113 : memref<64xf32, #tpu.memory_space<hbm>>)
      } else {
      }
      "tpu.region"() ({
        %run_scoped3A = tpu.sem_alloc : memref<!tpu.dma_semaphore, #tpu.memory_space<semaphore_mem>>
        %dma_start3A_104 = tpu.memref_slice %arg2[%add3A_51] : memref<131072xi32, #tpu.memory_space<hbm>> -> memref<64xi32, #tpu.memory_space<hbm>>
        %dma_start3A_105 = tpu.memref_slice %arg2[%add3A_51] : memref<131072xi32, #tpu.memory_space<hbm>> -> memref<64xi32, #tpu.memory_space<hbm>>
        tpu.enqueue_dma source(%dma_start3A_105 : memref<64xi32, #tpu.memory_space<hbm>>) target(%arg12 : memref<64xi32, #tpu.memory_space<vmem>>) target_semaphore(%run_scoped3A : memref<!tpu.dma_semaphore, #tpu.memory_space<semaphore_mem>>)
        %dma_wait3A_106 = tpu.memref_slice %arg2[%add3A_51] : memref<131072xi32, #tpu.memory_space<hbm>> -> memref<64xi32, #tpu.memory_space<hbm>>
        %dma_wait3A_107 = tpu.memref_slice %arg2[%add3A_51] : memref<131072xi32, #tpu.memory_space<hbm>> -> memref<64xi32, #tpu.memory_space<hbm>>
        tpu.wait_dma2 semaphore(%run_scoped3A : memref<!tpu.dma_semaphore, #tpu.memory_space<semaphore_mem>>) src(%dma_wait3A_107 : memref<64xi32, #tpu.memory_space<hbm>>) dst(%arg12 : memref<64xi32, #tpu.memory_space<vmem>>)
        tpu.yield
      }) : () -> ()
      %dma_start3A_57 = arith.constant 0 : i32
      %dma_start3A_58 = arith.constant 0 : i32
      %dma_start3A_59 = tpu.memref_slice %arg3[%dma_start3A_57, %dma_start3A_58] : memref<8192x512xf32, #tpu.memory_space<hbm>> -> memref<8192x512xf32, #tpu.memory_space<hbm>>
      tpu.enqueue_indirect_dma source(%dma_start3A_59 : memref<8192x512xf32, #tpu.memory_space<hbm>>) target(%arg14 : memref<64x512xf32, #tpu.memory_space<vmem>>) offsets(%arg12 : memref<64xi32, #tpu.memory_space<vmem>>) semaphore(%arg22 : memref<!tpu.dma_semaphore, #tpu.memory_space<semaphore_mem>>)
      %dma_start3A_60 = arith.constant 0 : i32
      %dma_start3A_61 = tpu.memref_slice %arg4[%dma_start3A_60] : memref<8192xf32, #tpu.memory_space<hbm>> -> memref<8192xf32, #tpu.memory_space<hbm>>
      tpu.enqueue_indirect_dma source(%dma_start3A_61 : memref<8192xf32, #tpu.memory_space<hbm>>) target(%arg16 : memref<64xf32, #tpu.memory_space<vmem>>) offsets(%arg12 : memref<64xi32, #tpu.memory_space<vmem>>) semaphore(%arg22 : memref<!tpu.dma_semaphore, #tpu.memory_space<semaphore_mem>>)
      %dma_start3A_62 = arith.constant 0 : i32
      %dma_start3A_63 = tpu.memref_slice %arg5[%dma_start3A_62] : memref<8192xf32, #tpu.memory_space<hbm>> -> memref<8192xf32, #tpu.memory_space<hbm>>
      tpu.enqueue_indirect_dma source(%dma_start3A_63 : memref<8192xf32, #tpu.memory_space<hbm>>) target(%arg18 : memref<64xf32, #tpu.memory_space<vmem>>) offsets(%arg12 : memref<64xi32, #tpu.memory_space<vmem>>) semaphore(%arg22 : memref<!tpu.dma_semaphore, #tpu.memory_space<semaphore_mem>>)
      %dma_start3A_64 = arith.constant 0 : i32
      %dma_start3A_65 = tpu.memref_slice %arg6[%dma_start3A_64] : memref<8192xf32, #tpu.memory_space<hbm>> -> memref<8192xf32, #tpu.memory_space<hbm>>
      tpu.enqueue_indirect_dma source(%dma_start3A_65 : memref<8192xf32, #tpu.memory_space<hbm>>) target(%arg20 : memref<64xf32, #tpu.memory_space<vmem>>) offsets(%arg12 : memref<64xi32, #tpu.memory_space<vmem>>) semaphore(%arg22 : memref<!tpu.dma_semaphore, #tpu.memory_space<semaphore_mem>>)
      %dma_wait3A_66 = arith.constant 0 : i32
      %dma_wait3A_67 = arith.constant 0 : i32
      %dma_wait3A_68 = tpu.memref_slice %arg3[%dma_wait3A_66, %dma_wait3A_67] : memref<8192x512xf32, #tpu.memory_space<hbm>> -> memref<8192x512xf32, #tpu.memory_space<hbm>>
      tpu.wait_indirect_dma semaphore(%arg21 : memref<!tpu.dma_semaphore, #tpu.memory_space<semaphore_mem>>) src(%dma_wait3A_68 : memref<8192x512xf32, #tpu.memory_space<hbm>>) dst(%arg13 : memref<64x512xf32, #tpu.memory_space<vmem>>)
      %dma_wait3A_69 = arith.constant 0 : i32
      %dma_wait3A_70 = tpu.memref_slice %arg4[%dma_wait3A_69] : memref<8192xf32, #tpu.memory_space<hbm>> -> memref<8192xf32, #tpu.memory_space<hbm>>
      tpu.wait_indirect_dma semaphore(%arg21 : memref<!tpu.dma_semaphore, #tpu.memory_space<semaphore_mem>>) src(%dma_wait3A_70 : memref<8192xf32, #tpu.memory_space<hbm>>) dst(%arg15 : memref<64xf32, #tpu.memory_space<vmem>>)
      %dma_wait3A_71 = arith.constant 0 : i32
      %dma_wait3A_72 = tpu.memref_slice %arg5[%dma_wait3A_71] : memref<8192xf32, #tpu.memory_space<hbm>> -> memref<8192xf32, #tpu.memory_space<hbm>>
      tpu.wait_indirect_dma semaphore(%arg21 : memref<!tpu.dma_semaphore, #tpu.memory_space<semaphore_mem>>) src(%dma_wait3A_72 : memref<8192xf32, #tpu.memory_space<hbm>>) dst(%arg17 : memref<64xf32, #tpu.memory_space<vmem>>)
      %dma_wait3A_73 = arith.constant 0 : i32
      %dma_wait3A_74 = tpu.memref_slice %arg6[%dma_wait3A_73] : memref<8192xf32, #tpu.memory_space<hbm>> -> memref<8192xf32, #tpu.memory_space<hbm>>
      tpu.wait_indirect_dma semaphore(%arg21 : memref<!tpu.dma_semaphore, #tpu.memory_space<semaphore_mem>>) src(%dma_wait3A_74 : memref<8192xf32, #tpu.memory_space<hbm>>) dst(%arg19 : memref<64xf32, #tpu.memory_space<vmem>>)
      %dma_start3A_75 = arith.constant 0 : i32
      %dma_start3A_76 = tpu.memref_slice %arg7[%add3A_34, %dma_start3A_75] : memref<131072x512xf32, #tpu.memory_space<hbm>> -> memref<64x512xf32, #tpu.memory_space<hbm>>
      %dma_start3A_77 = arith.constant 0 : i32
      %dma_start3A_78 = tpu.memref_slice %arg7[%add3A_34, %dma_start3A_77] : memref<131072x512xf32, #tpu.memory_space<hbm>> -> memref<64x512xf32, #tpu.memory_space<hbm>>
      tpu.enqueue_dma source(%arg13 : memref<64x512xf32, #tpu.memory_space<vmem>>) target(%dma_start3A_78 : memref<64x512xf32, #tpu.memory_space<hbm>>) target_semaphore(%arg23 : memref<!tpu.dma_semaphore, #tpu.memory_space<semaphore_mem>>)
      %dma_start3A_79 = tpu.memref_slice %arg8[%add3A_34] : memref<131072xf32, #tpu.memory_space<hbm>> -> memref<64xf32, #tpu.memory_space<hbm>>
      %dma_start3A_80 = tpu.memref_slice %arg8[%add3A_34] : memref<131072xf32, #tpu.memory_space<hbm>> -> memref<64xf32, #tpu.memory_space<hbm>>
      tpu.enqueue_dma source(%arg15 : memref<64xf32, #tpu.memory_space<vmem>>) target(%dma_start3A_80 : memref<64xf32, #tpu.memory_space<hbm>>) target_semaphore(%arg23 : memref<!tpu.dma_semaphore, #tpu.memory_space<semaphore_mem>>)
      %dma_start3A_81 = tpu.memref_slice %arg9[%add3A_34] : memref<131072xf32, #tpu.memory_space<hbm>> -> memref<64xf32, #tpu.memory_space<hbm>>
      %dma_start3A_82 = tpu.memref_slice %arg9[%add3A_34] : memref<131072xf32, #tpu.memory_space<hbm>> -> memref<64xf32, #tpu.memory_space<hbm>>
      tpu.enqueue_dma source(%arg17 : memref<64xf32, #tpu.memory_space<vmem>>) target(%dma_start3A_82 : memref<64xf32, #tpu.memory_space<hbm>>) target_semaphore(%arg23 : memref<!tpu.dma_semaphore, #tpu.memory_space<semaphore_mem>>)
      %dma_start3A_83 = tpu.memref_slice %arg10[%add3A_34] : memref<131072xf32, #tpu.memory_space<hbm>> -> memref<64xf32, #tpu.memory_space<hbm>>
      %dma_start3A_84 = tpu.memref_slice %arg10[%add3A_34] : memref<131072xf32, #tpu.memory_space<hbm>> -> memref<64xf32, #tpu.memory_space<hbm>>
      tpu.enqueue_dma source(%arg19 : memref<64xf32, #tpu.memory_space<vmem>>) target(%dma_start3A_84 : memref<64xf32, #tpu.memory_space<hbm>>) target_semaphore(%arg23 : memref<!tpu.dma_semaphore, #tpu.memory_space<semaphore_mem>>)
      %dma_wait3A_85 = arith.constant 0 : i32
      %dma_wait3A_86 = arith.constant 0 : i32
      %dma_wait3A_87 = tpu.memref_slice %arg3[%dma_wait3A_85, %dma_wait3A_86] : memref<8192x512xf32, #tpu.memory_space<hbm>> -> memref<8192x512xf32, #tpu.memory_space<hbm>>
      tpu.wait_indirect_dma semaphore(%arg22 : memref<!tpu.dma_semaphore, #tpu.memory_space<semaphore_mem>>) src(%dma_wait3A_87 : memref<8192x512xf32, #tpu.memory_space<hbm>>) dst(%arg14 : memref<64x512xf32, #tpu.memory_space<vmem>>)
      %dma_wait3A_88 = arith.constant 0 : i32
      %dma_wait3A_89 = tpu.memref_slice %arg4[%dma_wait3A_88] : memref<8192xf32, #tpu.memory_space<hbm>> -> memref<8192xf32, #tpu.memory_space<hbm>>
      tpu.wait_indirect_dma semaphore(%arg22 : memref<!tpu.dma_semaphore, #tpu.memory_space<semaphore_mem>>) src(%dma_wait3A_89 : memref<8192xf32, #tpu.memory_space<hbm>>) dst(%arg16 : memref<64xf32, #tpu.memory_space<vmem>>)
      %dma_wait3A_90 = arith.constant 0 : i32
      %dma_wait3A_91 = tpu.memref_slice %arg5[%dma_wait3A_90] : memref<8192xf32, #tpu.memory_space<hbm>> -> memref<8192xf32, #tpu.memory_space<hbm>>
      tpu.wait_indirect_dma semaphore(%arg22 : memref<!tpu.dma_semaphore, #tpu.memory_space<semaphore_mem>>) src(%dma_wait3A_91 : memref<8192xf32, #tpu.memory_space<hbm>>) dst(%arg18 : memref<64xf32, #tpu.memory_space<vmem>>)
      %dma_wait3A_92 = arith.constant 0 : i32
      %dma_wait3A_93 = tpu.memref_slice %arg6[%dma_wait3A_92] : memref<8192xf32, #tpu.memory_space<hbm>> -> memref<8192xf32, #tpu.memory_space<hbm>>
      tpu.wait_indirect_dma semaphore(%arg22 : memref<!tpu.dma_semaphore, #tpu.memory_space<semaphore_mem>>) src(%dma_wait3A_93 : memref<8192xf32, #tpu.memory_space<hbm>>) dst(%arg20 : memref<64xf32, #tpu.memory_space<vmem>>)
      %dma_start3A_94 = arith.constant 0 : i32
      %dma_start3A_95 = tpu.memref_slice %arg7[%add3A_51, %dma_start3A_94] : memref<131072x512xf32, #tpu.memory_space<hbm>> -> memref<64x512xf32, #tpu.memory_space<hbm>>
      %dma_start3A_96 = arith.constant 0 : i32
      %dma_start3A_97 = tpu.memref_slice %arg7[%add3A_51, %dma_start3A_96] : memref<131072x512xf32, #tpu.memory_space<hbm>> -> memref<64x512xf32, #tpu.memory_space<hbm>>
      tpu.enqueue_dma source(%arg14 : memref<64x512xf32, #tpu.memory_space<vmem>>) target(%dma_start3A_97 : memref<64x512xf32, #tpu.memory_space<hbm>>) target_semaphore(%arg24 : memref<!tpu.dma_semaphore, #tpu.memory_space<semaphore_mem>>)
      %dma_start3A_98 = tpu.memref_slice %arg8[%add3A_51] : memref<131072xf32, #tpu.memory_space<hbm>> -> memref<64xf32, #tpu.memory_space<hbm>>
      %dma_start3A_99 = tpu.memref_slice %arg8[%add3A_51] : memref<131072xf32, #tpu.memory_space<hbm>> -> memref<64xf32, #tpu.memory_space<hbm>>
      tpu.enqueue_dma source(%arg16 : memref<64xf32, #tpu.memory_space<vmem>>) target(%dma_start3A_99 : memref<64xf32, #tpu.memory_space<hbm>>) target_semaphore(%arg24 : memref<!tpu.dma_semaphore, #tpu.memory_space<semaphore_mem>>)
      %dma_start3A_100 = tpu.memref_slice %arg9[%add3A_51] : memref<131072xf32, #tpu.memory_space<hbm>> -> memref<64xf32, #tpu.memory_space<hbm>>
      %dma_start3A_101 = tpu.memref_slice %arg9[%add3A_51] : memref<131072xf32, #tpu.memory_space<hbm>> -> memref<64xf32, #tpu.memory_space<hbm>>
      tpu.enqueue_dma source(%arg18 : memref<64xf32, #tpu.memory_space<vmem>>) target(%dma_start3A_101 : memref<64xf32, #tpu.memory_space<hbm>>) target_semaphore(%arg24 : memref<!tpu.dma_semaphore, #tpu.memory_space<semaphore_mem>>)
      %dma_start3A_102 = tpu.memref_slice %arg10[%add3A_51] : memref<131072xf32, #tpu.memory_space<hbm>> -> memref<64xf32, #tpu.memory_space<hbm>>
      %dma_start3A_103 = tpu.memref_slice %arg10[%add3A_51] : memref<131072xf32, #tpu.memory_space<hbm>> -> memref<64xf32, #tpu.memory_space<hbm>>
      tpu.enqueue_dma source(%arg20 : memref<64xf32, #tpu.memory_space<vmem>>) target(%dma_start3A_103 : memref<64xf32, #tpu.memory_space<hbm>>) target_semaphore(%arg24 : memref<!tpu.dma_semaphore, #tpu.memory_space<semaphore_mem>>)
    }
    %scan3A_7 = arith.constant 32 : i32
    %dma_wait3A = arith.constant 0 : i32
    %dma_wait3A_8 = tpu.memref_slice %arg7[%mul3A_2, %dma_wait3A] : memref<131072x512xf32, #tpu.memory_space<hbm>> -> memref<64x512xf32, #tpu.memory_space<hbm>>
    %dma_wait3A_9 = arith.constant 0 : i32
    %dma_wait3A_10 = tpu.memref_slice %arg7[%mul3A_2, %dma_wait3A_9] : memref<131072x512xf32, #tpu.memory_space<hbm>> -> memref<64x512xf32, #tpu.memory_space<hbm>>
    tpu.wait_dma2 semaphore(%arg23 : memref<!tpu.dma_semaphore, #tpu.memory_space<semaphore_mem>>) src(%arg13 : memref<64x512xf32, #tpu.memory_space<vmem>>) dst(%dma_wait3A_10 : memref<64x512xf32, #tpu.memory_space<hbm>>)
    %dma_wait3A_11 = tpu.memref_slice %arg8[%mul3A_2] : memref<131072xf32, #tpu.memory_space<hbm>> -> memref<64xf32, #tpu.memory_space<hbm>>
    %dma_wait3A_12 = tpu.memref_slice %arg8[%mul3A_2] : memref<131072xf32, #tpu.memory_space<hbm>> -> memref<64xf32, #tpu.memory_space<hbm>>
    tpu.wait_dma2 semaphore(%arg23 : memref<!tpu.dma_semaphore, #tpu.memory_space<semaphore_mem>>) src(%arg15 : memref<64xf32, #tpu.memory_space<vmem>>) dst(%dma_wait3A_12 : memref<64xf32, #tpu.memory_space<hbm>>)
    %dma_wait3A_13 = tpu.memref_slice %arg9[%mul3A_2] : memref<131072xf32, #tpu.memory_space<hbm>> -> memref<64xf32, #tpu.memory_space<hbm>>
    %dma_wait3A_14 = tpu.memref_slice %arg9[%mul3A_2] : memref<131072xf32, #tpu.memory_space<hbm>> -> memref<64xf32, #tpu.memory_space<hbm>>
    tpu.wait_dma2 semaphore(%arg23 : memref<!tpu.dma_semaphore, #tpu.memory_space<semaphore_mem>>) src(%arg17 : memref<64xf32, #tpu.memory_space<vmem>>) dst(%dma_wait3A_14 : memref<64xf32, #tpu.memory_space<hbm>>)
    %dma_wait3A_15 = tpu.memref_slice %arg10[%mul3A_2] : memref<131072xf32, #tpu.memory_space<hbm>> -> memref<64xf32, #tpu.memory_space<hbm>>
    %dma_wait3A_16 = tpu.memref_slice %arg10[%mul3A_2] : memref<131072xf32, #tpu.memory_space<hbm>> -> memref<64xf32, #tpu.memory_space<hbm>>
    tpu.wait_dma2 semaphore(%arg23 : memref<!tpu.dma_semaphore, #tpu.memory_space<semaphore_mem>>) src(%arg19 : memref<64xf32, #tpu.memory_space<vmem>>) dst(%dma_wait3A_16 : memref<64xf32, #tpu.memory_space<hbm>>)
    %dma_wait3A_17 = arith.constant 0 : i32
    %dma_wait3A_18 = tpu.memref_slice %arg7[%mul3A_2, %dma_wait3A_17] : memref<131072x512xf32, #tpu.memory_space<hbm>> -> memref<64x512xf32, #tpu.memory_space<hbm>>
    %dma_wait3A_19 = arith.constant 0 : i32
    %dma_wait3A_20 = tpu.memref_slice %arg7[%mul3A_2, %dma_wait3A_19] : memref<131072x512xf32, #tpu.memory_space<hbm>> -> memref<64x512xf32, #tpu.memory_space<hbm>>
    tpu.wait_dma2 semaphore(%arg24 : memref<!tpu.dma_semaphore, #tpu.memory_space<semaphore_mem>>) src(%arg14 : memref<64x512xf32, #tpu.memory_space<vmem>>) dst(%dma_wait3A_20 : memref<64x512xf32, #tpu.memory_space<hbm>>)
    %dma_wait3A_21 = tpu.memref_slice %arg8[%mul3A_2] : memref<131072xf32, #tpu.memory_space<hbm>> -> memref<64xf32, #tpu.memory_space<hbm>>
    %dma_wait3A_22 = tpu.memref_slice %arg8[%mul3A_2] : memref<131072xf32, #tpu.memory_space<hbm>> -> memref<64xf32, #tpu.memory_space<hbm>>
    tpu.wait_dma2 semaphore(%arg24 : memref<!tpu.dma_semaphore, #tpu.memory_space<semaphore_mem>>) src(%arg16 : memref<64xf32, #tpu.memory_space<vmem>>) dst(%dma_wait3A_22 : memref<64xf32, #tpu.memory_space<hbm>>)
    %dma_wait3A_23 = tpu.memref_slice %arg9[%mul3A_2] : memref<131072xf32, #tpu.memory_space<hbm>> -> memref<64xf32, #tpu.memory_space<hbm>>
    %dma_wait3A_24 = tpu.memref_slice %arg9[%mul3A_2] : memref<131072xf32, #tpu.memory_space<hbm>> -> memref<64xf32, #tpu.memory_space<hbm>>
    tpu.wait_dma2 semaphore(%arg24 : memref<!tpu.dma_semaphore, #tpu.memory_space<semaphore_mem>>) src(%arg18 : memref<64xf32, #tpu.memory_space<vmem>>) dst(%dma_wait3A_24 : memref<64xf32, #tpu.memory_space<hbm>>)
    %dma_wait3A_25 = tpu.memref_slice %arg10[%mul3A_2] : memref<131072xf32, #tpu.memory_space<hbm>> -> memref<64xf32, #tpu.memory_space<hbm>>
    %dma_wait3A_26 = tpu.memref_slice %arg10[%mul3A_2] : memref<131072xf32, #tpu.memory_space<hbm>> -> memref<64xf32, #tpu.memory_space<hbm>>
    tpu.wait_dma2 semaphore(%arg24 : memref<!tpu.dma_semaphore, #tpu.memory_space<semaphore_mem>>) src(%arg20 : memref<64xf32, #tpu.memory_space<vmem>>) dst(%dma_wait3A_26 : memref<64xf32, #tpu.memory_space<hbm>>)
    return
  }
}

module attributes {stable_mosaic.version = 14 : i64} {
  func.func @_knn_body(%arg0: i32, %arg1: i32, %arg2: memref<1x256x8xf32, #tpu.memory_space<vmem>>, %arg3: memref<1x8x2048xf32, #tpu.memory_space<vmem>>, %arg4: memref<1x256x16xi32, #tpu.memory_space<vmem>>) attributes {dimension_semantics = [#tpu.dimension_semantics<arbitrary>, #tpu.dimension_semantics<arbitrary>], iteration_bounds = array<i64: 4, 8>, scalar_prefetch = 0 : i64, scratch_operands = 0 : i64, tpu.core_type = #tpu.core_type<tc>, window_params = [{transform_indices = @transform_0, window_bounds = array<i64: 1, 256, 8>}, {transform_indices = @transform_1, window_bounds = array<i64: 1, 8, 2048>}, {transform_indices = @transform_2, window_bounds = array<i64: 1, 256, 16>}]} {
    %get3A = arith.constant 0 : index
    %get3A_0 = arith.constant 0 : index
    %get3A_1 = arith.constant 0 : index
    %get3A_2 = vector.load %arg2[%get3A, %get3A_0, %get3A_1] : memref<1x256x8xf32, #tpu.memory_space<vmem>>, vector<1x256x8xf32>
    %get3A_3 = vector.shape_cast %get3A_2 : vector<1x256x8xf32> to vector<256x8xf32>
    %get3A_4 = arith.constant 0 : index
    %get3A_5 = arith.constant 0 : index
    %get3A_6 = arith.constant 0 : index
    %get3A_7 = vector.load %arg3[%get3A_4, %get3A_5, %get3A_6] : memref<1x8x2048xf32, #tpu.memory_space<vmem>>, vector<1x8x2048xf32>
    %get3A_8 = vector.shape_cast %get3A_7 : vector<1x8x2048xf32> to vector<8x2048xf32>
    %mul3A = arith.mulf %get3A_3, %get3A_3 : vector<256x8xf32>
    %reduce_sum3A = arith.constant dense<0.000000e+00> : vector<256xf32>
    %reduce_sum3A_9 = vector.multi_reduction <add>, %mul3A, %reduce_sum3A [1] : vector<256x8xf32> to vector<256xf32>
    %broadcast_in_dim3A = vector.shape_cast %reduce_sum3A_9 : vector<256xf32> to vector<256x1xf32>
    %mul3A_10 = arith.mulf %get3A_8, %get3A_8 : vector<8x2048xf32>
    %reduce_sum3A_11 = arith.constant dense<0.000000e+00> : vector<2048xf32>
    %reduce_sum3A_12 = vector.multi_reduction <add>, %mul3A_10, %reduce_sum3A_11 [0] : vector<8x2048xf32> to vector<2048xf32>
    %broadcast_in_dim3A_13 = vector.shape_cast %reduce_sum3A_12 : vector<2048xf32> to vector<1x2048xf32>
    %add3A = vector.broadcast %broadcast_in_dim3A : vector<256x1xf32> to vector<256x2048xf32>
    %add3A_14 = vector.broadcast %broadcast_in_dim3A_13 : vector<1x2048xf32> to vector<256x2048xf32>
    %add3A_15 = arith.addf %add3A, %add3A_14 : vector<256x2048xf32>
    %dot_general3A = arith.constant dense<0.000000e+00> : vector<256x2048xf32>
    %dot_general3A_16 = tpu.matmul %get3A_3, %get3A_8, %dot_general3A {dimension_numbers = #tpu.dot_dimension_numbers<[1], [0], [0], [1], [0, 0, 1, 1], [], []>, transpose_lhs_hint = false} : vector<256x8xf32>, vector<8x2048xf32>, vector<256x2048xf32> -> vector<256x2048xf32>
    %mul3A_17 = arith.constant 2.000000e+00 : f32
    %mul3A_18 = vector.broadcast %mul3A_17 : f32 to vector<256x2048xf32>
    %mul3A_19 = arith.mulf %mul3A_18, %dot_general3A_16 : vector<256x2048xf32>
    %sub3A = arith.subf %add3A_15, %mul3A_19 : vector<256x2048xf32>
    %iota3A = tpu.iota {dimensions = array<i32: 1>} : vector<256x2048xi32>
    %reduce_min3A = arith.constant dense<0x7F800000> : vector<256xf32>
    %reduce_min3A_20 = vector.multi_reduction <minimumf>, %sub3A, %reduce_min3A [1] : vector<256x2048xf32> to vector<256xf32>
    %broadcast_in_dim3A_21 = vector.shape_cast %reduce_min3A_20 : vector<256xf32> to vector<256x1xf32>
    %eq3A = vector.broadcast %broadcast_in_dim3A_21 : vector<256x1xf32> to vector<256x2048xf32>
    %eq3A_22 = arith.cmpf oeq, %sub3A, %eq3A : vector<256x2048xf32>
    %jit3A = arith.constant 2048 : i32
    %broadcast_in_dim3A_23 = vector.broadcast %jit3A : i32 to vector<256x2048xi32>
    %select_n3A = arith.select %eq3A_22, %iota3A, %broadcast_in_dim3A_23 : vector<256x2048xi1>, vector<256x2048xi32>
    %reduce_min3A_24 = arith.constant dense<2147483647> : vector<256xi32>
    %reduce_min3A_25 = vector.multi_reduction <minsi>, %select_n3A, %reduce_min3A_24 [1] : vector<256x2048xi32> to vector<256xi32>
    %broadcast_in_dim3A_26 = vector.shape_cast %reduce_min3A_25 : vector<256xi32> to vector<256x1xi32>
    %eq3A_27 = vector.broadcast %broadcast_in_dim3A_26 : vector<256x1xi32> to vector<256x2048xi32>
    %eq3A_28 = arith.cmpi eq, %iota3A, %eq3A_27 : vector<256x2048xi32>
    %jit3A_29 = arith.constant 0x7F800000 : f32
    %broadcast_in_dim3A_30 = vector.broadcast %jit3A_29 : f32 to vector<256x2048xf32>
    %select_n3A_31 = arith.select %eq3A_28, %broadcast_in_dim3A_30, %sub3A : vector<256x2048xi1>, vector<256x2048xf32>
    %reduce_min3A_32 = arith.constant dense<0x7F800000> : vector<256xf32>
    %reduce_min3A_33 = vector.multi_reduction <minimumf>, %select_n3A_31, %reduce_min3A_32 [1] : vector<256x2048xf32> to vector<256xf32>
    %broadcast_in_dim3A_34 = vector.shape_cast %reduce_min3A_33 : vector<256xf32> to vector<256x1xf32>
    %eq3A_35 = vector.broadcast %broadcast_in_dim3A_34 : vector<256x1xf32> to vector<256x2048xf32>
    %eq3A_36 = arith.cmpf oeq, %select_n3A_31, %eq3A_35 : vector<256x2048xf32>
    %jit3A_37 = arith.constant 2048 : i32
    %broadcast_in_dim3A_38 = vector.broadcast %jit3A_37 : i32 to vector<256x2048xi32>
    %select_n3A_39 = arith.select %eq3A_36, %iota3A, %broadcast_in_dim3A_38 : vector<256x2048xi1>, vector<256x2048xi32>
    %reduce_min3A_40 = arith.constant dense<2147483647> : vector<256xi32>
    %reduce_min3A_41 = vector.multi_reduction <minsi>, %select_n3A_39, %reduce_min3A_40 [1] : vector<256x2048xi32> to vector<256xi32>
    %broadcast_in_dim3A_42 = vector.shape_cast %reduce_min3A_41 : vector<256xi32> to vector<256x1xi32>
    %eq3A_43 = vector.broadcast %broadcast_in_dim3A_42 : vector<256x1xi32> to vector<256x2048xi32>
    %eq3A_44 = arith.cmpi eq, %iota3A, %eq3A_43 : vector<256x2048xi32>
    %jit3A_45 = arith.constant 0x7F800000 : f32
    %broadcast_in_dim3A_46 = vector.broadcast %jit3A_45 : f32 to vector<256x2048xf32>
    %select_n3A_47 = arith.select %eq3A_44, %broadcast_in_dim3A_46, %select_n3A_31 : vector<256x2048xi1>, vector<256x2048xf32>
    %reduce_min3A_48 = arith.constant dense<0x7F800000> : vector<256xf32>
    %reduce_min3A_49 = vector.multi_reduction <minimumf>, %select_n3A_47, %reduce_min3A_48 [1] : vector<256x2048xf32> to vector<256xf32>
    %broadcast_in_dim3A_50 = vector.shape_cast %reduce_min3A_49 : vector<256xf32> to vector<256x1xf32>
    %eq3A_51 = vector.broadcast %broadcast_in_dim3A_50 : vector<256x1xf32> to vector<256x2048xf32>
    %eq3A_52 = arith.cmpf oeq, %select_n3A_47, %eq3A_51 : vector<256x2048xf32>
    %jit3A_53 = arith.constant 2048 : i32
    %broadcast_in_dim3A_54 = vector.broadcast %jit3A_53 : i32 to vector<256x2048xi32>
    %select_n3A_55 = arith.select %eq3A_52, %iota3A, %broadcast_in_dim3A_54 : vector<256x2048xi1>, vector<256x2048xi32>
    %reduce_min3A_56 = arith.constant dense<2147483647> : vector<256xi32>
    %reduce_min3A_57 = vector.multi_reduction <minsi>, %select_n3A_55, %reduce_min3A_56 [1] : vector<256x2048xi32> to vector<256xi32>
    %broadcast_in_dim3A_58 = vector.shape_cast %reduce_min3A_57 : vector<256xi32> to vector<256x1xi32>
    %eq3A_59 = vector.broadcast %broadcast_in_dim3A_58 : vector<256x1xi32> to vector<256x2048xi32>
    %eq3A_60 = arith.cmpi eq, %iota3A, %eq3A_59 : vector<256x2048xi32>
    %jit3A_61 = arith.constant 0x7F800000 : f32
    %broadcast_in_dim3A_62 = vector.broadcast %jit3A_61 : f32 to vector<256x2048xf32>
    %select_n3A_63 = arith.select %eq3A_60, %broadcast_in_dim3A_62, %select_n3A_47 : vector<256x2048xi1>, vector<256x2048xf32>
    %reduce_min3A_64 = arith.constant dense<0x7F800000> : vector<256xf32>
    %reduce_min3A_65 = vector.multi_reduction <minimumf>, %select_n3A_63, %reduce_min3A_64 [1] : vector<256x2048xf32> to vector<256xf32>
    %broadcast_in_dim3A_66 = vector.shape_cast %reduce_min3A_65 : vector<256xf32> to vector<256x1xf32>
    %eq3A_67 = vector.broadcast %broadcast_in_dim3A_66 : vector<256x1xf32> to vector<256x2048xf32>
    %eq3A_68 = arith.cmpf oeq, %select_n3A_63, %eq3A_67 : vector<256x2048xf32>
    %jit3A_69 = arith.constant 2048 : i32
    %broadcast_in_dim3A_70 = vector.broadcast %jit3A_69 : i32 to vector<256x2048xi32>
    %select_n3A_71 = arith.select %eq3A_68, %iota3A, %broadcast_in_dim3A_70 : vector<256x2048xi1>, vector<256x2048xi32>
    %reduce_min3A_72 = arith.constant dense<2147483647> : vector<256xi32>
    %reduce_min3A_73 = vector.multi_reduction <minsi>, %select_n3A_71, %reduce_min3A_72 [1] : vector<256x2048xi32> to vector<256xi32>
    %broadcast_in_dim3A_74 = vector.shape_cast %reduce_min3A_73 : vector<256xi32> to vector<256x1xi32>
    %eq3A_75 = vector.broadcast %broadcast_in_dim3A_74 : vector<256x1xi32> to vector<256x2048xi32>
    %eq3A_76 = arith.cmpi eq, %iota3A, %eq3A_75 : vector<256x2048xi32>
    %jit3A_77 = arith.constant 0x7F800000 : f32
    %broadcast_in_dim3A_78 = vector.broadcast %jit3A_77 : f32 to vector<256x2048xf32>
    %select_n3A_79 = arith.select %eq3A_76, %broadcast_in_dim3A_78, %select_n3A_63 : vector<256x2048xi1>, vector<256x2048xf32>
    %reduce_min3A_80 = arith.constant dense<0x7F800000> : vector<256xf32>
    %reduce_min3A_81 = vector.multi_reduction <minimumf>, %select_n3A_79, %reduce_min3A_80 [1] : vector<256x2048xf32> to vector<256xf32>
    %broadcast_in_dim3A_82 = vector.shape_cast %reduce_min3A_81 : vector<256xf32> to vector<256x1xf32>
    %eq3A_83 = vector.broadcast %broadcast_in_dim3A_82 : vector<256x1xf32> to vector<256x2048xf32>
    %eq3A_84 = arith.cmpf oeq, %select_n3A_79, %eq3A_83 : vector<256x2048xf32>
    %jit3A_85 = arith.constant 2048 : i32
    %broadcast_in_dim3A_86 = vector.broadcast %jit3A_85 : i32 to vector<256x2048xi32>
    %select_n3A_87 = arith.select %eq3A_84, %iota3A, %broadcast_in_dim3A_86 : vector<256x2048xi1>, vector<256x2048xi32>
    %reduce_min3A_88 = arith.constant dense<2147483647> : vector<256xi32>
    %reduce_min3A_89 = vector.multi_reduction <minsi>, %select_n3A_87, %reduce_min3A_88 [1] : vector<256x2048xi32> to vector<256xi32>
    %broadcast_in_dim3A_90 = vector.shape_cast %reduce_min3A_89 : vector<256xi32> to vector<256x1xi32>
    %eq3A_91 = vector.broadcast %broadcast_in_dim3A_90 : vector<256x1xi32> to vector<256x2048xi32>
    %eq3A_92 = arith.cmpi eq, %iota3A, %eq3A_91 : vector<256x2048xi32>
    %jit3A_93 = arith.constant 0x7F800000 : f32
    %broadcast_in_dim3A_94 = vector.broadcast %jit3A_93 : f32 to vector<256x2048xf32>
    %select_n3A_95 = arith.select %eq3A_92, %broadcast_in_dim3A_94, %select_n3A_79 : vector<256x2048xi1>, vector<256x2048xf32>
    %reduce_min3A_96 = arith.constant dense<0x7F800000> : vector<256xf32>
    %reduce_min3A_97 = vector.multi_reduction <minimumf>, %select_n3A_95, %reduce_min3A_96 [1] : vector<256x2048xf32> to vector<256xf32>
    %broadcast_in_dim3A_98 = vector.shape_cast %reduce_min3A_97 : vector<256xf32> to vector<256x1xf32>
    %eq3A_99 = vector.broadcast %broadcast_in_dim3A_98 : vector<256x1xf32> to vector<256x2048xf32>
    %eq3A_100 = arith.cmpf oeq, %select_n3A_95, %eq3A_99 : vector<256x2048xf32>
    %jit3A_101 = arith.constant 2048 : i32
    %broadcast_in_dim3A_102 = vector.broadcast %jit3A_101 : i32 to vector<256x2048xi32>
    %select_n3A_103 = arith.select %eq3A_100, %iota3A, %broadcast_in_dim3A_102 : vector<256x2048xi1>, vector<256x2048xi32>
    %reduce_min3A_104 = arith.constant dense<2147483647> : vector<256xi32>
    %reduce_min3A_105 = vector.multi_reduction <minsi>, %select_n3A_103, %reduce_min3A_104 [1] : vector<256x2048xi32> to vector<256xi32>
    %broadcast_in_dim3A_106 = vector.shape_cast %reduce_min3A_105 : vector<256xi32> to vector<256x1xi32>
    %eq3A_107 = vector.broadcast %broadcast_in_dim3A_106 : vector<256x1xi32> to vector<256x2048xi32>
    %eq3A_108 = arith.cmpi eq, %iota3A, %eq3A_107 : vector<256x2048xi32>
    %jit3A_109 = arith.constant 0x7F800000 : f32
    %broadcast_in_dim3A_110 = vector.broadcast %jit3A_109 : f32 to vector<256x2048xf32>
    %select_n3A_111 = arith.select %eq3A_108, %broadcast_in_dim3A_110, %select_n3A_95 : vector<256x2048xi1>, vector<256x2048xf32>
    %reduce_min3A_112 = arith.constant dense<0x7F800000> : vector<256xf32>
    %reduce_min3A_113 = vector.multi_reduction <minimumf>, %select_n3A_111, %reduce_min3A_112 [1] : vector<256x2048xf32> to vector<256xf32>
    %broadcast_in_dim3A_114 = vector.shape_cast %reduce_min3A_113 : vector<256xf32> to vector<256x1xf32>
    %eq3A_115 = vector.broadcast %broadcast_in_dim3A_114 : vector<256x1xf32> to vector<256x2048xf32>
    %eq3A_116 = arith.cmpf oeq, %select_n3A_111, %eq3A_115 : vector<256x2048xf32>
    %jit3A_117 = arith.constant 2048 : i32
    %broadcast_in_dim3A_118 = vector.broadcast %jit3A_117 : i32 to vector<256x2048xi32>
    %select_n3A_119 = arith.select %eq3A_116, %iota3A, %broadcast_in_dim3A_118 : vector<256x2048xi1>, vector<256x2048xi32>
    %reduce_min3A_120 = arith.constant dense<2147483647> : vector<256xi32>
    %reduce_min3A_121 = vector.multi_reduction <minsi>, %select_n3A_119, %reduce_min3A_120 [1] : vector<256x2048xi32> to vector<256xi32>
    %broadcast_in_dim3A_122 = vector.shape_cast %reduce_min3A_121 : vector<256xi32> to vector<256x1xi32>
    %eq3A_123 = vector.broadcast %broadcast_in_dim3A_122 : vector<256x1xi32> to vector<256x2048xi32>
    %eq3A_124 = arith.cmpi eq, %iota3A, %eq3A_123 : vector<256x2048xi32>
    %jit3A_125 = arith.constant 0x7F800000 : f32
    %broadcast_in_dim3A_126 = vector.broadcast %jit3A_125 : f32 to vector<256x2048xf32>
    %select_n3A_127 = arith.select %eq3A_124, %broadcast_in_dim3A_126, %select_n3A_111 : vector<256x2048xi1>, vector<256x2048xf32>
    %reduce_min3A_128 = arith.constant dense<0x7F800000> : vector<256xf32>
    %reduce_min3A_129 = vector.multi_reduction <minimumf>, %select_n3A_127, %reduce_min3A_128 [1] : vector<256x2048xf32> to vector<256xf32>
    %broadcast_in_dim3A_130 = vector.shape_cast %reduce_min3A_129 : vector<256xf32> to vector<256x1xf32>
    %eq3A_131 = vector.broadcast %broadcast_in_dim3A_130 : vector<256x1xf32> to vector<256x2048xf32>
    %eq3A_132 = arith.cmpf oeq, %select_n3A_127, %eq3A_131 : vector<256x2048xf32>
    %jit3A_133 = arith.constant 2048 : i32
    %broadcast_in_dim3A_134 = vector.broadcast %jit3A_133 : i32 to vector<256x2048xi32>
    %select_n3A_135 = arith.select %eq3A_132, %iota3A, %broadcast_in_dim3A_134 : vector<256x2048xi1>, vector<256x2048xi32>
    %reduce_min3A_136 = arith.constant dense<2147483647> : vector<256xi32>
    %reduce_min3A_137 = vector.multi_reduction <minsi>, %select_n3A_135, %reduce_min3A_136 [1] : vector<256x2048xi32> to vector<256xi32>
    %broadcast_in_dim3A_138 = vector.shape_cast %reduce_min3A_137 : vector<256xi32> to vector<256x1xi32>
    %eq3A_139 = vector.broadcast %broadcast_in_dim3A_138 : vector<256x1xi32> to vector<256x2048xi32>
    %eq3A_140 = arith.cmpi eq, %iota3A, %eq3A_139 : vector<256x2048xi32>
    %jit3A_141 = arith.constant 0x7F800000 : f32
    %broadcast_in_dim3A_142 = vector.broadcast %jit3A_141 : f32 to vector<256x2048xf32>
    %select_n3A_143 = arith.select %eq3A_140, %broadcast_in_dim3A_142, %select_n3A_127 : vector<256x2048xi1>, vector<256x2048xf32>
    %reduce_min3A_144 = arith.constant dense<0x7F800000> : vector<256xf32>
    %reduce_min3A_145 = vector.multi_reduction <minimumf>, %select_n3A_143, %reduce_min3A_144 [1] : vector<256x2048xf32> to vector<256xf32>
    %broadcast_in_dim3A_146 = vector.shape_cast %reduce_min3A_145 : vector<256xf32> to vector<256x1xf32>
    %eq3A_147 = vector.broadcast %broadcast_in_dim3A_146 : vector<256x1xf32> to vector<256x2048xf32>
    %eq3A_148 = arith.cmpf oeq, %select_n3A_143, %eq3A_147 : vector<256x2048xf32>
    %jit3A_149 = arith.constant 2048 : i32
    %broadcast_in_dim3A_150 = vector.broadcast %jit3A_149 : i32 to vector<256x2048xi32>
    %select_n3A_151 = arith.select %eq3A_148, %iota3A, %broadcast_in_dim3A_150 : vector<256x2048xi1>, vector<256x2048xi32>
    %reduce_min3A_152 = arith.constant dense<2147483647> : vector<256xi32>
    %reduce_min3A_153 = vector.multi_reduction <minsi>, %select_n3A_151, %reduce_min3A_152 [1] : vector<256x2048xi32> to vector<256xi32>
    %broadcast_in_dim3A_154 = vector.shape_cast %reduce_min3A_153 : vector<256xi32> to vector<256x1xi32>
    %eq3A_155 = vector.broadcast %broadcast_in_dim3A_154 : vector<256x1xi32> to vector<256x2048xi32>
    %eq3A_156 = arith.cmpi eq, %iota3A, %eq3A_155 : vector<256x2048xi32>
    %jit3A_157 = arith.constant 0x7F800000 : f32
    %broadcast_in_dim3A_158 = vector.broadcast %jit3A_157 : f32 to vector<256x2048xf32>
    %select_n3A_159 = arith.select %eq3A_156, %broadcast_in_dim3A_158, %select_n3A_143 : vector<256x2048xi1>, vector<256x2048xf32>
    %reduce_min3A_160 = arith.constant dense<0x7F800000> : vector<256xf32>
    %reduce_min3A_161 = vector.multi_reduction <minimumf>, %select_n3A_159, %reduce_min3A_160 [1] : vector<256x2048xf32> to vector<256xf32>
    %broadcast_in_dim3A_162 = vector.shape_cast %reduce_min3A_161 : vector<256xf32> to vector<256x1xf32>
    %eq3A_163 = vector.broadcast %broadcast_in_dim3A_162 : vector<256x1xf32> to vector<256x2048xf32>
    %eq3A_164 = arith.cmpf oeq, %select_n3A_159, %eq3A_163 : vector<256x2048xf32>
    %jit3A_165 = arith.constant 2048 : i32
    %broadcast_in_dim3A_166 = vector.broadcast %jit3A_165 : i32 to vector<256x2048xi32>
    %select_n3A_167 = arith.select %eq3A_164, %iota3A, %broadcast_in_dim3A_166 : vector<256x2048xi1>, vector<256x2048xi32>
    %reduce_min3A_168 = arith.constant dense<2147483647> : vector<256xi32>
    %reduce_min3A_169 = vector.multi_reduction <minsi>, %select_n3A_167, %reduce_min3A_168 [1] : vector<256x2048xi32> to vector<256xi32>
    %broadcast_in_dim3A_170 = vector.shape_cast %reduce_min3A_169 : vector<256xi32> to vector<256x1xi32>
    %eq3A_171 = vector.broadcast %broadcast_in_dim3A_170 : vector<256x1xi32> to vector<256x2048xi32>
    %eq3A_172 = arith.cmpi eq, %iota3A, %eq3A_171 : vector<256x2048xi32>
    %jit3A_173 = arith.constant 0x7F800000 : f32
    %broadcast_in_dim3A_174 = vector.broadcast %jit3A_173 : f32 to vector<256x2048xf32>
    %select_n3A_175 = arith.select %eq3A_172, %broadcast_in_dim3A_174, %select_n3A_159 : vector<256x2048xi1>, vector<256x2048xf32>
    %reduce_min3A_176 = arith.constant dense<0x7F800000> : vector<256xf32>
    %reduce_min3A_177 = vector.multi_reduction <minimumf>, %select_n3A_175, %reduce_min3A_176 [1] : vector<256x2048xf32> to vector<256xf32>
    %broadcast_in_dim3A_178 = vector.shape_cast %reduce_min3A_177 : vector<256xf32> to vector<256x1xf32>
    %eq3A_179 = vector.broadcast %broadcast_in_dim3A_178 : vector<256x1xf32> to vector<256x2048xf32>
    %eq3A_180 = arith.cmpf oeq, %select_n3A_175, %eq3A_179 : vector<256x2048xf32>
    %jit3A_181 = arith.constant 2048 : i32
    %broadcast_in_dim3A_182 = vector.broadcast %jit3A_181 : i32 to vector<256x2048xi32>
    %select_n3A_183 = arith.select %eq3A_180, %iota3A, %broadcast_in_dim3A_182 : vector<256x2048xi1>, vector<256x2048xi32>
    %reduce_min3A_184 = arith.constant dense<2147483647> : vector<256xi32>
    %reduce_min3A_185 = vector.multi_reduction <minsi>, %select_n3A_183, %reduce_min3A_184 [1] : vector<256x2048xi32> to vector<256xi32>
    %broadcast_in_dim3A_186 = vector.shape_cast %reduce_min3A_185 : vector<256xi32> to vector<256x1xi32>
    %eq3A_187 = vector.broadcast %broadcast_in_dim3A_186 : vector<256x1xi32> to vector<256x2048xi32>
    %eq3A_188 = arith.cmpi eq, %iota3A, %eq3A_187 : vector<256x2048xi32>
    %jit3A_189 = arith.constant 0x7F800000 : f32
    %broadcast_in_dim3A_190 = vector.broadcast %jit3A_189 : f32 to vector<256x2048xf32>
    %select_n3A_191 = arith.select %eq3A_188, %broadcast_in_dim3A_190, %select_n3A_175 : vector<256x2048xi1>, vector<256x2048xf32>
    %reduce_min3A_192 = arith.constant dense<0x7F800000> : vector<256xf32>
    %reduce_min3A_193 = vector.multi_reduction <minimumf>, %select_n3A_191, %reduce_min3A_192 [1] : vector<256x2048xf32> to vector<256xf32>
    %broadcast_in_dim3A_194 = vector.shape_cast %reduce_min3A_193 : vector<256xf32> to vector<256x1xf32>
    %eq3A_195 = vector.broadcast %broadcast_in_dim3A_194 : vector<256x1xf32> to vector<256x2048xf32>
    %eq3A_196 = arith.cmpf oeq, %select_n3A_191, %eq3A_195 : vector<256x2048xf32>
    %jit3A_197 = arith.constant 2048 : i32
    %broadcast_in_dim3A_198 = vector.broadcast %jit3A_197 : i32 to vector<256x2048xi32>
    %select_n3A_199 = arith.select %eq3A_196, %iota3A, %broadcast_in_dim3A_198 : vector<256x2048xi1>, vector<256x2048xi32>
    %reduce_min3A_200 = arith.constant dense<2147483647> : vector<256xi32>
    %reduce_min3A_201 = vector.multi_reduction <minsi>, %select_n3A_199, %reduce_min3A_200 [1] : vector<256x2048xi32> to vector<256xi32>
    %broadcast_in_dim3A_202 = vector.shape_cast %reduce_min3A_201 : vector<256xi32> to vector<256x1xi32>
    %eq3A_203 = vector.broadcast %broadcast_in_dim3A_202 : vector<256x1xi32> to vector<256x2048xi32>
    %eq3A_204 = arith.cmpi eq, %iota3A, %eq3A_203 : vector<256x2048xi32>
    %jit3A_205 = arith.constant 0x7F800000 : f32
    %broadcast_in_dim3A_206 = vector.broadcast %jit3A_205 : f32 to vector<256x2048xf32>
    %select_n3A_207 = arith.select %eq3A_204, %broadcast_in_dim3A_206, %select_n3A_191 : vector<256x2048xi1>, vector<256x2048xf32>
    %reduce_min3A_208 = arith.constant dense<0x7F800000> : vector<256xf32>
    %reduce_min3A_209 = vector.multi_reduction <minimumf>, %select_n3A_207, %reduce_min3A_208 [1] : vector<256x2048xf32> to vector<256xf32>
    %broadcast_in_dim3A_210 = vector.shape_cast %reduce_min3A_209 : vector<256xf32> to vector<256x1xf32>
    %eq3A_211 = vector.broadcast %broadcast_in_dim3A_210 : vector<256x1xf32> to vector<256x2048xf32>
    %eq3A_212 = arith.cmpf oeq, %select_n3A_207, %eq3A_211 : vector<256x2048xf32>
    %jit3A_213 = arith.constant 2048 : i32
    %broadcast_in_dim3A_214 = vector.broadcast %jit3A_213 : i32 to vector<256x2048xi32>
    %select_n3A_215 = arith.select %eq3A_212, %iota3A, %broadcast_in_dim3A_214 : vector<256x2048xi1>, vector<256x2048xi32>
    %reduce_min3A_216 = arith.constant dense<2147483647> : vector<256xi32>
    %reduce_min3A_217 = vector.multi_reduction <minsi>, %select_n3A_215, %reduce_min3A_216 [1] : vector<256x2048xi32> to vector<256xi32>
    %broadcast_in_dim3A_218 = vector.shape_cast %reduce_min3A_217 : vector<256xi32> to vector<256x1xi32>
    %eq3A_219 = vector.broadcast %broadcast_in_dim3A_218 : vector<256x1xi32> to vector<256x2048xi32>
    %eq3A_220 = arith.cmpi eq, %iota3A, %eq3A_219 : vector<256x2048xi32>
    %jit3A_221 = arith.constant 0x7F800000 : f32
    %broadcast_in_dim3A_222 = vector.broadcast %jit3A_221 : f32 to vector<256x2048xf32>
    %select_n3A_223 = arith.select %eq3A_220, %broadcast_in_dim3A_222, %select_n3A_207 : vector<256x2048xi1>, vector<256x2048xf32>
    %reduce_min3A_224 = arith.constant dense<0x7F800000> : vector<256xf32>
    %reduce_min3A_225 = vector.multi_reduction <minimumf>, %select_n3A_223, %reduce_min3A_224 [1] : vector<256x2048xf32> to vector<256xf32>
    %broadcast_in_dim3A_226 = vector.shape_cast %reduce_min3A_225 : vector<256xf32> to vector<256x1xf32>
    %eq3A_227 = vector.broadcast %broadcast_in_dim3A_226 : vector<256x1xf32> to vector<256x2048xf32>
    %eq3A_228 = arith.cmpf oeq, %select_n3A_223, %eq3A_227 : vector<256x2048xf32>
    %jit3A_229 = arith.constant 2048 : i32
    %broadcast_in_dim3A_230 = vector.broadcast %jit3A_229 : i32 to vector<256x2048xi32>
    %select_n3A_231 = arith.select %eq3A_228, %iota3A, %broadcast_in_dim3A_230 : vector<256x2048xi1>, vector<256x2048xi32>
    %reduce_min3A_232 = arith.constant dense<2147483647> : vector<256xi32>
    %reduce_min3A_233 = vector.multi_reduction <minsi>, %select_n3A_231, %reduce_min3A_232 [1] : vector<256x2048xi32> to vector<256xi32>
    %broadcast_in_dim3A_234 = vector.shape_cast %reduce_min3A_233 : vector<256xi32> to vector<256x1xi32>
    %eq3A_235 = vector.broadcast %broadcast_in_dim3A_234 : vector<256x1xi32> to vector<256x2048xi32>
    %eq3A_236 = arith.cmpi eq, %iota3A, %eq3A_235 : vector<256x2048xi32>
    %jit3A_237 = arith.constant 0x7F800000 : f32
    %broadcast_in_dim3A_238 = vector.broadcast %jit3A_237 : f32 to vector<256x2048xf32>
    %select_n3A_239 = arith.select %eq3A_236, %broadcast_in_dim3A_238, %select_n3A_223 : vector<256x2048xi1>, vector<256x2048xf32>
    %reduce_min3A_240 = arith.constant dense<0x7F800000> : vector<256xf32>
    %reduce_min3A_241 = vector.multi_reduction <minimumf>, %select_n3A_239, %reduce_min3A_240 [1] : vector<256x2048xf32> to vector<256xf32>
    %broadcast_in_dim3A_242 = vector.shape_cast %reduce_min3A_241 : vector<256xf32> to vector<256x1xf32>
    %eq3A_243 = vector.broadcast %broadcast_in_dim3A_242 : vector<256x1xf32> to vector<256x2048xf32>
    %eq3A_244 = arith.cmpf oeq, %select_n3A_239, %eq3A_243 : vector<256x2048xf32>
    %jit3A_245 = arith.constant 2048 : i32
    %broadcast_in_dim3A_246 = vector.broadcast %jit3A_245 : i32 to vector<256x2048xi32>
    %select_n3A_247 = arith.select %eq3A_244, %iota3A, %broadcast_in_dim3A_246 : vector<256x2048xi1>, vector<256x2048xi32>
    %reduce_min3A_248 = arith.constant dense<2147483647> : vector<256xi32>
    %reduce_min3A_249 = vector.multi_reduction <minsi>, %select_n3A_247, %reduce_min3A_248 [1] : vector<256x2048xi32> to vector<256xi32>
    %broadcast_in_dim3A_250 = vector.shape_cast %reduce_min3A_249 : vector<256xi32> to vector<256x1xi32>
    %eq3A_251 = vector.broadcast %broadcast_in_dim3A_250 : vector<256x1xi32> to vector<256x2048xi32>
    %eq3A_252 = arith.cmpi eq, %iota3A, %eq3A_251 : vector<256x2048xi32>
    %jit3A_253 = arith.constant 0x7F800000 : f32
    %broadcast_in_dim3A_254 = vector.broadcast %jit3A_253 : f32 to vector<256x2048xf32>
    %select_n3A_255 = arith.select %eq3A_252, %broadcast_in_dim3A_254, %select_n3A_239 : vector<256x2048xi1>, vector<256x2048xf32>
    %reduce_min3A_256 = arith.constant dense<0x7F800000> : vector<256xf32>
    %reduce_min3A_257 = vector.multi_reduction <minimumf>, %select_n3A_255, %reduce_min3A_256 [1] : vector<256x2048xf32> to vector<256xf32>
    %broadcast_in_dim3A_258 = vector.shape_cast %reduce_min3A_257 : vector<256xf32> to vector<256x1xf32>
    %eq3A_259 = vector.broadcast %broadcast_in_dim3A_258 : vector<256x1xf32> to vector<256x2048xf32>
    %eq3A_260 = arith.cmpf oeq, %select_n3A_255, %eq3A_259 : vector<256x2048xf32>
    %jit3A_261 = arith.constant 2048 : i32
    %broadcast_in_dim3A_262 = vector.broadcast %jit3A_261 : i32 to vector<256x2048xi32>
    %select_n3A_263 = arith.select %eq3A_260, %iota3A, %broadcast_in_dim3A_262 : vector<256x2048xi1>, vector<256x2048xi32>
    %reduce_min3A_264 = arith.constant dense<2147483647> : vector<256xi32>
    %reduce_min3A_265 = vector.multi_reduction <minsi>, %select_n3A_263, %reduce_min3A_264 [1] : vector<256x2048xi32> to vector<256xi32>
    %broadcast_in_dim3A_266 = vector.shape_cast %reduce_min3A_265 : vector<256xi32> to vector<256x1xi32>
    %concatenate3A = tpu.concatenate %broadcast_in_dim3A_26, %broadcast_in_dim3A_42, %broadcast_in_dim3A_58, %broadcast_in_dim3A_74, %broadcast_in_dim3A_90, %broadcast_in_dim3A_106, %broadcast_in_dim3A_122, %broadcast_in_dim3A_138, %broadcast_in_dim3A_154, %broadcast_in_dim3A_170, %broadcast_in_dim3A_186, %broadcast_in_dim3A_202, %broadcast_in_dim3A_218, %broadcast_in_dim3A_234, %broadcast_in_dim3A_250, %broadcast_in_dim3A_266 in 1 : vector<256x1xi32>, vector<256x1xi32>, vector<256x1xi32>, vector<256x1xi32>, vector<256x1xi32>, vector<256x1xi32>, vector<256x1xi32>, vector<256x1xi32>, vector<256x1xi32>, vector<256x1xi32>, vector<256x1xi32>, vector<256x1xi32>, vector<256x1xi32>, vector<256x1xi32>, vector<256x1xi32>, vector<256x1xi32> -> vector<256x16xi32>
    %mul3A_267 = arith.constant 2048 : i32
    %mul3A_268 = arith.muli %arg0, %mul3A_267 : i32
    %add3A_269 = vector.broadcast %mul3A_268 : i32 to vector<256x16xi32>
    %add3A_270 = arith.addi %concatenate3A, %add3A_269 : vector<256x16xi32>
    %swap3A = arith.constant 0 : index
    %swap3A_271 = arith.constant 0 : index
    %swap3A_272 = arith.constant 0 : index
    %swap3A_273 = vector.load %arg4[%swap3A, %swap3A_271, %swap3A_272] : memref<1x256x16xi32, #tpu.memory_space<vmem>>, vector<1x256x16xi32>
    %swap3A_274 = vector.shape_cast %swap3A_273 : vector<1x256x16xi32> to vector<256x16xi32>
    %swap3A_275 = vector.shape_cast %add3A_270 : vector<256x16xi32> to vector<1x256x16xi32>
    tpu.vector_store %arg4[%swap3A, %swap3A_271, %swap3A_272], %swap3A_275 {strides = array<i32>} : memref<1x256x16xi32, #tpu.memory_space<vmem>>, vector<1x256x16xi32>,
    return
  }
  func.func @transform_0(%arg0: i32, %arg1: i32) -> (i32, i32, i32) {
    %c0_i32 = arith.constant 0 : i32
    %c0_i32_0 = arith.constant 0 : i32
    return %arg0, %arg1, %c0_i32 : i32, i32, i32
  }
  func.func @transform_1(%arg0: i32, %arg1: i32) -> (i32, i32, i32) {
    %c0_i32 = arith.constant 0 : i32
    %c0_i32_0 = arith.constant 0 : i32
    %c0_i32_1 = arith.constant 0 : i32
    return %arg0, %c0_i32, %c0_i32_0 : i32, i32, i32
  }
  func.func @transform_2(%arg0: i32, %arg1: i32) -> (i32, i32, i32) {
    %c0_i32 = arith.constant 0 : i32
    %c0_i32_0 = arith.constant 0 : i32
    return %arg0, %arg1, %c0_i32 : i32, i32, i32
  }
}

module attributes {stable_mosaic.version = 14 : i64} {
  func.func @_proj_body(%arg0: i32, %arg1: i32, %arg2: memref<1x512x256xf32, #tpu.memory_space<vmem>>, %arg3: memref<256x256xf32, #tpu.memory_space<vmem>>, %arg4: memref<1x256xf32, #tpu.memory_space<vmem>>, %arg5: memref<256x256xf32, #tpu.memory_space<vmem>>, %arg6: memref<1x256xf32, #tpu.memory_space<vmem>>, %arg7: memref<256x256xf32, #tpu.memory_space<vmem>>, %arg8: memref<1x256xf32, #tpu.memory_space<vmem>>, %arg9: memref<1x256xf32, #tpu.memory_space<vmem>>, %arg10: memref<1x256xf32, #tpu.memory_space<vmem>>, %arg11: memref<1x512x256xf32, #tpu.memory_space<vmem>>, %arg12: memref<1x512x512xf32, #tpu.memory_space<vmem>>, %arg13: memref<1x512x256xf32, #tpu.memory_space<vmem>>) attributes {dimension_semantics = [#tpu.dimension_semantics<arbitrary>, #tpu.dimension_semantics<arbitrary>], iteration_bounds = array<i64: 4, 4>, scalar_prefetch = 0 : i64, scratch_operands = 0 : i64, tpu.core_type = #tpu.core_type<tc>, window_params = [{transform_indices = @transform_0, window_bounds = array<i64: 1, 512, 256>}, {pipeline_mode = #tpu.pipeline_mode<synchronous>, transform_indices = @transform_1, window_bounds = array<i64: 256, 256>}, {pipeline_mode = #tpu.pipeline_mode<synchronous>, transform_indices = @transform_2, window_bounds = array<i64: 1, 256>}, {pipeline_mode = #tpu.pipeline_mode<synchronous>, transform_indices = @transform_3, window_bounds = array<i64: 256, 256>}, {pipeline_mode = #tpu.pipeline_mode<synchronous>, transform_indices = @transform_4, window_bounds = array<i64: 1, 256>}, {pipeline_mode = #tpu.pipeline_mode<synchronous>, transform_indices = @transform_5, window_bounds = array<i64: 256, 256>}, {pipeline_mode = #tpu.pipeline_mode<synchronous>, transform_indices = @transform_6, window_bounds = array<i64: 1, 256>}, {pipeline_mode = #tpu.pipeline_mode<synchronous>, transform_indices = @transform_7, window_bounds = array<i64: 1, 256>}, {pipeline_mode = #tpu.pipeline_mode<synchronous>, transform_indices = @transform_8, window_bounds = array<i64: 1, 256>}, {transform_indices = @transform_9, window_bounds = array<i64: 1, 512, 256>}, {transform_indices = @transform_10, window_bounds = array<i64: 1, 512, 512>}, {transform_indices = @transform_11, window_bounds = array<i64: 1, 512, 256>}]} {
    %get3A = arith.constant 0 : index
    %get3A_0 = arith.constant 0 : index
    %get3A_1 = arith.constant 0 : index
    %get3A_2 = vector.load %arg2[%get3A, %get3A_0, %get3A_1] : memref<1x512x256xf32, #tpu.memory_space<vmem>>, vector<1x512x256xf32>
    %get3A_3 = vector.shape_cast %get3A_2 : vector<1x512x256xf32> to vector<512x256xf32>
    %get3A_4 = arith.constant 0 : index
    %get3A_5 = arith.constant 0 : index
    %get3A_6 = vector.load %arg3[%get3A_4, %get3A_5] : memref<256x256xf32, #tpu.memory_space<vmem>>, vector<256x256xf32>
    %dot_general3A = arith.constant dense<0.000000e+00> : vector<512x256xf32>
    %dot_general3A_7 = tpu.matmul %get3A_3, %get3A_6, %dot_general3A {dimension_numbers = #tpu.dot_dimension_numbers<[1], [0], [0], [1], [0, 0, 1, 1], [], []>, transpose_lhs_hint = false} : vector<512x256xf32>, vector<256x256xf32>, vector<512x256xf32> -> vector<512x256xf32>
    %get3A_8 = arith.constant 0 : index
    %get3A_9 = arith.constant 0 : index
    %get3A_10 = vector.load %arg4[%get3A_8, %get3A_9] : memref<1x256xf32, #tpu.memory_space<vmem>>, vector<1x256xf32>
    %add3A = vector.broadcast %get3A_10 : vector<1x256xf32> to vector<512x256xf32>
    %add3A_11 = arith.addf %dot_general3A_7, %add3A : vector<512x256xf32>
    %get3A_12 = arith.constant 0 : index
    %get3A_13 = arith.constant 0 : index
    %get3A_14 = vector.load %arg5[%get3A_12, %get3A_13] : memref<256x256xf32, #tpu.memory_space<vmem>>, vector<256x256xf32>
    %dot_general3A_15 = arith.constant dense<0.000000e+00> : vector<512x256xf32>
    %dot_general3A_16 = tpu.matmul %get3A_3, %get3A_14, %dot_general3A_15 {dimension_numbers = #tpu.dot_dimension_numbers<[1], [0], [0], [1], [0, 0, 1, 1], [], []>, transpose_lhs_hint = false} : vector<512x256xf32>, vector<256x256xf32>, vector<512x256xf32> -> vector<512x256xf32>
    %get3A_17 = arith.constant 0 : index
    %get3A_18 = arith.constant 0 : index
    %get3A_19 = vector.load %arg6[%get3A_17, %get3A_18] : memref<1x256xf32, #tpu.memory_space<vmem>>, vector<1x256xf32>
    %add3A_20 = vector.broadcast %get3A_19 : vector<1x256xf32> to vector<512x256xf32>
    %add3A_21 = arith.addf %dot_general3A_16, %add3A_20 : vector<512x256xf32>
    %get3A_22 = arith.constant 0 : index
    %get3A_23 = arith.constant 0 : index
    %get3A_24 = vector.load %arg7[%get3A_22, %get3A_23] : memref<256x256xf32, #tpu.memory_space<vmem>>, vector<256x256xf32>
    %dot_general3A_25 = arith.constant dense<0.000000e+00> : vector<512x256xf32>
    %dot_general3A_26 = tpu.matmul %get3A_3, %get3A_24, %dot_general3A_25 {dimension_numbers = #tpu.dot_dimension_numbers<[1], [0], [0], [1], [0, 0, 1, 1], [], []>, transpose_lhs_hint = false} : vector<512x256xf32>, vector<256x256xf32>, vector<512x256xf32> -> vector<512x256xf32>
    %get3A_27 = arith.constant 0 : index
    %get3A_28 = arith.constant 0 : index
    %get3A_29 = vector.load %arg8[%get3A_27, %get3A_28] : memref<1x256xf32, #tpu.memory_space<vmem>>, vector<1x256xf32>
    %add3A_30 = vector.broadcast %get3A_29 : vector<1x256xf32> to vector<512x256xf32>
    %add3A_31 = arith.addf %dot_general3A_26, %add3A_30 : vector<512x256xf32>
    %reduce_sum3A = arith.constant dense<0.000000e+00> : vector<512xf32>
    %reduce_sum3A_32 = vector.multi_reduction <add>, %get3A_3, %reduce_sum3A [1] : vector<512x256xf32> to vector<512xf32>
    %broadcast_in_dim3A = vector.shape_cast %reduce_sum3A_32 : vector<512xf32> to vector<512x1xf32>
    %div3A = arith.constant 2.560000e+02 : f32
    %div3A_33 = vector.broadcast %div3A : f32 to vector<512x1xf32>
    %div3A_34 = arith.divf %broadcast_in_dim3A, %div3A_33 : vector<512x1xf32>
    %sub3A = vector.broadcast %div3A_34 : vector<512x1xf32> to vector<512x256xf32>
    %sub3A_35 = arith.subf %get3A_3, %sub3A : vector<512x256xf32>
    %integer_pow3A = arith.mulf %sub3A_35, %sub3A_35 : vector<512x256xf32>
    %reduce_sum3A_36 = arith.constant dense<0.000000e+00> : vector<512xf32>
    %reduce_sum3A_37 = vector.multi_reduction <add>, %integer_pow3A, %reduce_sum3A_36 [1] : vector<512x256xf32> to vector<512xf32>
    %broadcast_in_dim3A_38 = vector.shape_cast %reduce_sum3A_37 : vector<512xf32> to vector<512x1xf32>
    %div3A_39 = arith.constant 2.560000e+02 : f32
    %div3A_40 = vector.broadcast %div3A_39 : f32 to vector<512x1xf32>
    %div3A_41 = arith.divf %broadcast_in_dim3A_38, %div3A_40 : vector<512x1xf32>
    %sub3A_42 = vector.broadcast %div3A_34 : vector<512x1xf32> to vector<512x256xf32>
    %sub3A_43 = arith.subf %get3A_3, %sub3A_42 : vector<512x256xf32>
    %add3A_44 = arith.constant 9.99999974E-6 : f32
    %add3A_45 = vector.broadcast %add3A_44 : f32 to vector<512x1xf32>
    %add3A_46 = arith.addf %div3A_41, %add3A_45 : vector<512x1xf32>
    %sqrt3A = math.sqrt %add3A_46 : vector<512x1xf32>
    %div3A_47 = vector.broadcast %sqrt3A : vector<512x1xf32> to vector<512x256xf32>
    %div3A_48 = arith.divf %sub3A_43, %div3A_47 : vector<512x256xf32>
    %get3A_49 = arith.constant 0 : index
    %get3A_50 = arith.constant 0 : index
    %get3A_51 = vector.load %arg9[%get3A_49, %get3A_50] : memref<1x256xf32, #tpu.memory_space<vmem>>, vector<1x256xf32>
    %mul3A = vector.broadcast %get3A_51 : vector<1x256xf32> to vector<512x256xf32>
    %mul3A_52 = arith.mulf %div3A_48, %mul3A : vector<512x256xf32>
    %get3A_53 = arith.constant 0 : index
    %get3A_54 = arith.constant 0 : index
    %get3A_55 = vector.load %arg10[%get3A_53, %get3A_54] : memref<1x256xf32, #tpu.memory_space<vmem>>, vector<1x256xf32>
    %add3A_56 = vector.broadcast %get3A_55 : vector<1x256xf32> to vector<512x256xf32>
    %add3A_57 = arith.addf %mul3A_52, %add3A_56 : vector<512x256xf32>
    %get3A_58 = arith.constant 0 : index
    %get3A_59 = arith.constant 0 : index
    %get3A_60 = vector.load %arg3[%get3A_58, %get3A_59] : memref<256x256xf32, #tpu.memory_space<vmem>>, vector<256x256xf32>
    %dot_general3A_61 = arith.constant dense<0.000000e+00> : vector<512x256xf32>
    %dot_general3A_62 = tpu.matmul %add3A_57, %get3A_60, %dot_general3A_61 {dimension_numbers = #tpu.dot_dimension_numbers<[1], [0], [0], [1], [0, 0, 1, 1], [], []>, transpose_lhs_hint = false} : vector<512x256xf32>, vector<256x256xf32>, vector<512x256xf32> -> vector<512x256xf32>
    %get3A_63 = arith.constant 0 : index
    %get3A_64 = arith.constant 0 : index
    %get3A_65 = vector.load %arg4[%get3A_63, %get3A_64] : memref<1x256xf32, #tpu.memory_space<vmem>>, vector<1x256xf32>
    %add3A_66 = vector.broadcast %get3A_65 : vector<1x256xf32> to vector<512x256xf32>
    %add3A_67 = arith.addf %dot_general3A_62, %add3A_66 : vector<512x256xf32>
    %swap3A = arith.constant 0 : index
    %swap3A_68 = arith.constant 0 : index
    %swap3A_69 = arith.constant 0 : index
    %swap3A_70 = vector.load %arg11[%swap3A, %swap3A_68, %swap3A_69] : memref<1x512x256xf32, #tpu.memory_space<vmem>>, vector<1x512x256xf32>
    %swap3A_71 = vector.shape_cast %swap3A_70 : vector<1x512x256xf32> to vector<512x256xf32>
    %swap3A_72 = vector.shape_cast %add3A_11 : vector<512x256xf32> to vector<1x512x256xf32>
    tpu.vector_store %arg11[%swap3A, %swap3A_68, %swap3A_69], %swap3A_72 {strides = array<i32>} : memref<1x512x256xf32, #tpu.memory_space<vmem>>, vector<1x512x256xf32>,
    %concatenate3A = tpu.concatenate %add3A_21, %add3A_31 in 1 : vector<512x256xf32>, vector<512x256xf32> -> vector<512x512xf32>
    %swap3A_73 = arith.constant 0 : index
    %swap3A_74 = arith.constant 0 : index
    %swap3A_75 = arith.constant 0 : index
    %swap3A_76 = vector.load %arg12[%swap3A_73, %swap3A_74, %swap3A_75] : memref<1x512x512xf32, #tpu.memory_space<vmem>>, vector<1x512x512xf32>
    %swap3A_77 = vector.shape_cast %swap3A_76 : vector<1x512x512xf32> to vector<512x512xf32>
    %swap3A_78 = vector.shape_cast %concatenate3A : vector<512x512xf32> to vector<1x512x512xf32>
    tpu.vector_store %arg12[%swap3A_73, %swap3A_74, %swap3A_75], %swap3A_78 {strides = array<i32>} : memref<1x512x512xf32, #tpu.memory_space<vmem>>, vector<1x512x512xf32>,
    %swap3A_79 = arith.constant 0 : index
    %swap3A_80 = arith.constant 0 : index
    %swap3A_81 = arith.constant 0 : index
    %swap3A_82 = vector.load %arg13[%swap3A_79, %swap3A_80, %swap3A_81] : memref<1x512x256xf32, #tpu.memory_space<vmem>>, vector<1x512x256xf32>
    %swap3A_83 = vector.shape_cast %swap3A_82 : vector<1x512x256xf32> to vector<512x256xf32>
    %swap3A_84 = vector.shape_cast %add3A_67 : vector<512x256xf32> to vector<1x512x256xf32>
    tpu.vector_store %arg13[%swap3A_79, %swap3A_80, %swap3A_81], %swap3A_84 {strides = array<i32>} : memref<1x512x256xf32, #tpu.memory_space<vmem>>, vector<1x512x256xf32>,
    return
  }
  func.func @transform_0(%arg0: i32, %arg1: i32) -> (i32, i32, i32) {
    %c0_i32 = arith.constant 0 : i32
    %c0_i32_0 = arith.constant 0 : i32
    return %arg0, %arg1, %c0_i32 : i32, i32, i32
  }
  func.func @transform_1(%arg0: i32, %arg1: i32) -> (i32, i32) {
    %c0_i32 = arith.constant 0 : i32
    %c0_i32_0 = arith.constant 0 : i32
    %c0_i32_1 = arith.constant 0 : i32
    return %c0_i32, %c0_i32_0 : i32, i32
  }
  func.func @transform_2(%arg0: i32, %arg1: i32) -> (i32, i32) {
    %c0_i32 = arith.constant 0 : i32
    %c0_i32_0 = arith.constant 0 : i32
    %c0_i32_1 = arith.constant 0 : i32
    return %c0_i32, %c0_i32_0 : i32, i32
  }
  func.func @transform_3(%arg0: i32, %arg1: i32) -> (i32, i32) {
    %c0_i32 = arith.constant 0 : i32
    %c0_i32_0 = arith.constant 0 : i32
    %c0_i32_1 = arith.constant 0 : i32
    return %c0_i32, %c0_i32_0 : i32, i32
  }
  func.func @transform_4(%arg0: i32, %arg1: i32) -> (i32, i32) {
    %c0_i32 = arith.constant 0 : i32
    %c0_i32_0 = arith.constant 0 : i32
    %c0_i32_1 = arith.constant 0 : i32
    return %c0_i32, %c0_i32_0 : i32, i32
  }
  func.func @transform_5(%arg0: i32, %arg1: i32) -> (i32, i32) {
    %c0_i32 = arith.constant 0 : i32
    %c0_i32_0 = arith.constant 0 : i32
    %c0_i32_1 = arith.constant 0 : i32
    return %c0_i32, %c0_i32_0 : i32, i32
  }
  func.func @transform_6(%arg0: i32, %arg1: i32) -> (i32, i32) {
    %c0_i32 = arith.constant 0 : i32
    %c0_i32_0 = arith.constant 0 : i32
    %c0_i32_1 = arith.constant 0 : i32
    return %c0_i32, %c0_i32_0 : i32, i32
  }
  func.func @transform_7(%arg0: i32, %arg1: i32) -> (i32, i32) {
    %c0_i32 = arith.constant 0 : i32
    %c0_i32_0 = arith.constant 0 : i32
    %c0_i32_1 = arith.constant 0 : i32
    return %c0_i32, %c0_i32_0 : i32, i32
  }
  func.func @transform_8(%arg0: i32, %arg1: i32) -> (i32, i32) {
    %c0_i32 = arith.constant 0 : i32
    %c0_i32_0 = arith.constant 0 : i32
    %c0_i32_1 = arith.constant 0 : i32
    return %c0_i32, %c0_i32_0 : i32, i32
  }
  func.func @transform_9(%arg0: i32, %arg1: i32) -> (i32, i32, i32) {
    %c0_i32 = arith.constant 0 : i32
    %c0_i32_0 = arith.constant 0 : i32
    return %arg0, %arg1, %c0_i32 : i32, i32, i32
  }
  func.func @transform_10(%arg0: i32, %arg1: i32) -> (i32, i32, i32) {
    %c0_i32 = arith.constant 0 : i32
    %c0_i32_0 = arith.constant 0 : i32
    return %arg0, %arg1, %c0_i32 : i32, i32, i32
  }
  func.func @transform_11(%arg0: i32, %arg1: i32) -> (i32, i32, i32) {
    %c0_i32 = arith.constant 0 : i32
    %c0_i32_0 = arith.constant 0 : i32
    return %arg0, %arg1, %c0_i32 : i32, i32, i32
  }
}

module attributes {stable_mosaic.version = 14 : i64} {
  func.func @_attn_body(%arg0: i32, %arg1: i32, %arg2: memref<1x128x256xf32, #tpu.memory_space<vmem>>, %arg3: memref<1x2048x512xf32, #tpu.memory_space<vmem>>, %arg4: memref<1x128x16xf32, #tpu.memory_space<vmem>>, %arg5: memref<1x128x16xf32, #tpu.memory_space<vmem>>, %arg6: memref<1x128x16xf32, #tpu.memory_space<vmem>>, %arg7: memref<1x128x16xf32, #tpu.memory_space<vmem>>, %arg8: memref<1x128x256xf32, #tpu.memory_space<vmem>>, %arg9: memref<16x64xf32, #tpu.memory_space<vmem>>, %arg10: memref<1x64xf32, #tpu.memory_space<vmem>>, %arg11: memref<64x64xf32, #tpu.memory_space<vmem>>, %arg12: memref<1x64xf32, #tpu.memory_space<vmem>>, %arg13: memref<256x256xf32, #tpu.memory_space<vmem>>, %arg14: memref<1x256xf32, #tpu.memory_space<vmem>>, %arg15: memref<256x256xf32, #tpu.memory_space<vmem>>, %arg16: memref<1x256xf32, #tpu.memory_space<vmem>>, %arg17: memref<1x256xf32, #tpu.memory_space<vmem>>, %arg18: memref<1x256xf32, #tpu.memory_space<vmem>>, %arg19: memref<1x128x256xf32, #tpu.memory_space<vmem>>, %arg20: memref<1x4x128x16xf32, #tpu.memory_space<vmem>>) attributes {dimension_semantics = [#tpu.dimension_semantics<arbitrary>, #tpu.dimension_semantics<arbitrary>], iteration_bounds = array<i64: 4, 16>, scalar_prefetch = 0 : i64, scratch_operands = 0 : i64, tpu.core_type = #tpu.core_type<tc>, window_params = [{transform_indices = @transform_0, window_bounds = array<i64: 1, 128, 256>}, {transform_indices = @transform_1, window_bounds = array<i64: 1, 2048, 512>}, {transform_indices = @transform_2, window_bounds = array<i64: 1, 128, 16>}, {transform_indices = @transform_3, window_bounds = array<i64: 1, 128, 16>}, {transform_indices = @transform_4, window_bounds = array<i64: 1, 128, 16>}, {transform_indices = @transform_5, window_bounds = array<i64: 1, 128, 16>}, {transform_indices = @transform_6, window_bounds = array<i64: 1, 128, 256>}, {pipeline_mode = #tpu.pipeline_mode<synchronous>, transform_indices = @transform_7, window_bounds = array<i64: 16, 64>}, {pipeline_mode = #tpu.pipeline_mode<synchronous>, transform_indices = @transform_8, window_bounds = array<i64: 1, 64>}, {pipeline_mode = #tpu.pipeline_mode<synchronous>, transform_indices = @transform_9, window_bounds = array<i64: 64, 64>}, {pipeline_mode = #tpu.pipeline_mode<synchronous>, transform_indices = @transform_10, window_bounds = array<i64: 1, 64>}, {pipeline_mode = #tpu.pipeline_mode<synchronous>, transform_indices = @transform_11, window_bounds = array<i64: 256, 256>}, {pipeline_mode = #tpu.pipeline_mode<synchronous>, transform_indices = @transform_12, window_bounds = array<i64: 1, 256>}, {pipeline_mode = #tpu.pipeline_mode<synchronous>, transform_indices = @transform_13, window_bounds = array<i64: 256, 256>}, {pipeline_mode = #tpu.pipeline_mode<synchronous>, transform_indices = @transform_14, window_bounds = array<i64: 1, 256>}, {pipeline_mode = #tpu.pipeline_mode<synchronous>, transform_indices = @transform_15, window_bounds = array<i64: 1, 256>}, {pipeline_mode = #tpu.pipeline_mode<synchronous>, transform_indices = @transform_16, window_bounds = array<i64: 1, 256>}, {transform_indices = @transform_17, window_bounds = array<i64: 1, 128, 256>}, {transform_indices = @transform_18, window_bounds = array<i64: 1, 4, 128, 16>}]} {
    %get3A = arith.constant 0 : index
    %get3A_0 = arith.constant 0 : index
    %get3A_1 = arith.constant 0 : index
    %get3A_2 = vector.load %arg2[%get3A, %get3A_0, %get3A_1] : memref<1x128x256xf32, #tpu.memory_space<vmem>>, vector<1x128x256xf32>
    %get3A_3 = vector.shape_cast %get3A_2 : vector<1x128x256xf32> to vector<128x256xf32>
    %get3A_4 = arith.constant 0 : index
    %get3A_5 = arith.constant 0 : index
    %get3A_6 = arith.constant 0 : index
    %get3A_7 = vector.load %arg3[%get3A_4, %get3A_5, %get3A_6] : memref<1x2048x512xf32, #tpu.memory_space<vmem>>, vector<1x2048x512xf32>
    %get3A_8 = vector.shape_cast %get3A_7 : vector<1x2048x512xf32> to vector<2048x512xf32>
    %get3A_9 = arith.constant 0 : index
    %get3A_10 = arith.constant 0 : index
    %get3A_11 = arith.constant 0 : index
    %get3A_12 = vector.load %arg7[%get3A_9, %get3A_10, %get3A_11] : memref<1x128x16xf32, #tpu.memory_space<vmem>>, vector<1x128x16xf32>
    %get3A_13 = vector.shape_cast %get3A_12 : vector<1x128x16xf32> to vector<128x16xf32>
    %get3A_14 = arith.constant 0 : index
    %get3A_15 = arith.constant 0 : index
    %get3A_16 = vector.load %arg9[%get3A_14, %get3A_15] : memref<16x64xf32, #tpu.memory_space<vmem>>, vector<16x64xf32>
    %get3A_17 = arith.constant 0 : index
    %get3A_18 = arith.constant 0 : index
    %get3A_19 = arith.constant 0 : index
    %get3A_20 = vector.load %arg4[%get3A_17, %get3A_18, %get3A_19] : memref<1x128x16xf32, #tpu.memory_space<vmem>>, vector<1x128x16xf32>
    %get3A_21 = vector.shape_cast %get3A_20 : vector<1x128x16xf32> to vector<128x16xf32>
    %slice3A = vector.extract_strided_slice %get3A_13 {offsets = [0, 0], sizes = [128, 1], strides = [1, 1]} : vector<128x16xf32> to vector<128x1xf32>
    %sub3A = vector.broadcast %slice3A : vector<128x1xf32> to vector<128x16xf32>
    %sub3A_22 = arith.subf %get3A_21, %sub3A : vector<128x16xf32>
    %broadcast_in_dim3A = vector.shape_cast %sub3A_22 : vector<128x16xf32> to vector<128x16x1xf32>
    %slice3A_23 = vector.extract_strided_slice %get3A_16 {offsets = [0, 0], sizes = [1, 64], strides = [1, 1]} : vector<16x64xf32> to vector<1x64xf32>
    %broadcast_in_dim3A_24 = vector.shape_cast %slice3A_23 : vector<1x64xf32> to vector<1x1x64xf32>
    %mul3A = vector.broadcast %broadcast_in_dim3A : vector<128x16x1xf32> to vector<128x16x64xf32>
    %mul3A_25 = vector.broadcast %broadcast_in_dim3A_24 : vector<1x1x64xf32> to vector<128x16x64xf32>
    %mul3A_26 = arith.mulf %mul3A, %mul3A_25 : vector<128x16x64xf32>
    %get3A_27 = arith.constant 0 : index
    %get3A_28 = arith.constant 0 : index
    %get3A_29 = arith.constant 0 : index
    %get3A_30 = vector.load %arg5[%get3A_27, %get3A_28, %get3A_29] : memref<1x128x16xf32, #tpu.memory_space<vmem>>, vector<1x128x16xf32>
    %get3A_31 = vector.shape_cast %get3A_30 : vector<1x128x16xf32> to vector<128x16xf32>
    %slice3A_32 = vector.extract_strided_slice %get3A_13 {offsets = [0, 1], sizes = [128, 1], strides = [1, 1]} : vector<128x16xf32> to vector<128x1xf32>
    %sub3A_33 = vector.broadcast %slice3A_32 : vector<128x1xf32> to vector<128x16xf32>
    %sub3A_34 = arith.subf %get3A_31, %sub3A_33 : vector<128x16xf32>
    %broadcast_in_dim3A_35 = vector.shape_cast %sub3A_34 : vector<128x16xf32> to vector<128x16x1xf32>
    %slice3A_36 = vector.extract_strided_slice %get3A_16 {offsets = [1, 0], sizes = [1, 64], strides = [1, 1]} : vector<16x64xf32> to vector<1x64xf32>
    %broadcast_in_dim3A_37 = vector.shape_cast %slice3A_36 : vector<1x64xf32> to vector<1x1x64xf32>
    %mul3A_38 = vector.broadcast %broadcast_in_dim3A_35 : vector<128x16x1xf32> to vector<128x16x64xf32>
    %mul3A_39 = vector.broadcast %broadcast_in_dim3A_37 : vector<1x1x64xf32> to vector<128x16x64xf32>
    %mul3A_40 = arith.mulf %mul3A_38, %mul3A_39 : vector<128x16x64xf32>
    %add3A = arith.addf %mul3A_26, %mul3A_40 : vector<128x16x64xf32>
    %get3A_41 = arith.constant 0 : index
    %get3A_42 = arith.constant 0 : index
    %get3A_43 = arith.constant 0 : index
    %get3A_44 = vector.load %arg6[%get3A_41, %get3A_42, %get3A_43] : memref<1x128x16xf32, #tpu.memory_space<vmem>>, vector<1x128x16xf32>
    %get3A_45 = vector.shape_cast %get3A_44 : vector<1x128x16xf32> to vector<128x16xf32>
    %slice3A_46 = vector.extract_strided_slice %get3A_13 {offsets = [0, 2], sizes = [128, 1], strides = [1, 1]} : vector<128x16xf32> to vector<128x1xf32>
    %sub3A_47 = vector.broadcast %slice3A_46 : vector<128x1xf32> to vector<128x16xf32>
    %sub3A_48 = arith.subf %get3A_45, %sub3A_47 : vector<128x16xf32>
    %broadcast_in_dim3A_49 = vector.shape_cast %sub3A_48 : vector<128x16xf32> to vector<128x16x1xf32>
    %slice3A_50 = vector.extract_strided_slice %get3A_16 {offsets = [2, 0], sizes = [1, 64], strides = [1, 1]} : vector<16x64xf32> to vector<1x64xf32>
    %broadcast_in_dim3A_51 = vector.shape_cast %slice3A_50 : vector<1x64xf32> to vector<1x1x64xf32>
    %mul3A_52 = vector.broadcast %broadcast_in_dim3A_49 : vector<128x16x1xf32> to vector<128x16x64xf32>
    %mul3A_53 = vector.broadcast %broadcast_in_dim3A_51 : vector<1x1x64xf32> to vector<128x16x64xf32>
    %mul3A_54 = arith.mulf %mul3A_52, %mul3A_53 : vector<128x16x64xf32>
    %add3A_55 = arith.addf %add3A, %mul3A_54 : vector<128x16x64xf32>
    %get3A_56 = arith.constant 0 : index
    %get3A_57 = arith.constant 0 : index
    %get3A_58 = vector.load %arg10[%get3A_56, %get3A_57] : memref<1x64xf32, #tpu.memory_space<vmem>>, vector<1x64xf32>
    %broadcast_in_dim3A_59 = vector.shape_cast %get3A_58 : vector<1x64xf32> to vector<1x1x64xf32>
    %add3A_60 = vector.broadcast %broadcast_in_dim3A_59 : vector<1x1x64xf32> to vector<128x16x64xf32>
    %add3A_61 = arith.addf %add3A_55, %add3A_60 : vector<128x16x64xf32>
    %max3A = arith.constant 0.000000e+00 : f32
    %max3A_62 = vector.broadcast %max3A : f32 to vector<128x16x64xf32>
    %max3A_63 = arith.maximumf %add3A_61, %max3A_62 : vector<128x16x64xf32>
    %reshape3A = vector.shape_cast %max3A_63 : vector<128x16x64xf32> to vector<2048x64xf32>
    %get3A_64 = arith.constant 0 : index
    %get3A_65 = arith.constant 0 : index
    %get3A_66 = vector.load %arg11[%get3A_64, %get3A_65] : memref<64x64xf32, #tpu.memory_space<vmem>>, vector<64x64xf32>
    %dot_general3A = arith.constant dense<0.000000e+00> : vector<2048x64xf32>
    %dot_general3A_67 = tpu.matmul %reshape3A, %get3A_66, %dot_general3A {dimension_numbers = #tpu.dot_dimension_numbers<[1], [0], [0], [1], [0, 0, 1, 1], [], []>, transpose_lhs_hint = false} : vector<2048x64xf32>, vector<64x64xf32>, vector<2048x64xf32> -> vector<2048x64xf32>
    %get3A_68 = arith.constant 0 : index
    %get3A_69 = arith.constant 0 : index
    %get3A_70 = vector.load %arg12[%get3A_68, %get3A_69] : memref<1x64xf32, #tpu.memory_space<vmem>>, vector<1x64xf32>
    %add3A_71 = vector.broadcast %get3A_70 : vector<1x64xf32> to vector<2048x64xf32>
    %add3A_72 = arith.addf %dot_general3A_67, %add3A_71 : vector<2048x64xf32>
    %reshape3A_73 = vector.shape_cast %add3A_72 : vector<2048x64xf32> to vector<128x16x64xf32>
    %slice3A_74 = vector.extract_strided_slice %get3A_3 {offsets = [0, 0], sizes = [128, 64], strides = [1, 1]} : vector<128x256xf32> to vector<128x64xf32>
    %slice3A_75 = vector.extract_strided_slice %get3A_8 {offsets = [0, 0], sizes = [2048, 64], strides = [1, 1]} : vector<2048x512xf32> to vector<2048x64xf32>
    %reshape3A_76 = vector.shape_cast %slice3A_75 : vector<2048x64xf32> to vector<128x16x64xf32>
    %slice3A_77 = vector.extract_strided_slice %get3A_8 {offsets = [0, 256], sizes = [2048, 64], strides = [1, 1]} : vector<2048x512xf32> to vector<2048x64xf32>
    %reshape3A_78 = vector.shape_cast %slice3A_77 : vector<2048x64xf32> to vector<128x16x64xf32>
    %broadcast_in_dim3A_79 = vector.shape_cast %slice3A_74 : vector<128x64xf32> to vector<128x1x64xf32>
    %add3A_80 = arith.addf %reshape3A_76, %reshape3A_73 : vector<128x16x64xf32>
    %mul3A_81 = vector.broadcast %broadcast_in_dim3A_79 : vector<128x1x64xf32> to vector<128x16x64xf32>
    %mul3A_82 = arith.mulf %mul3A_81, %add3A_80 : vector<128x16x64xf32>
    %reduce_sum3A = arith.constant dense<0.000000e+00> : vector<128x16xf32>
    %reduce_sum3A_83 = vector.multi_reduction <add>, %mul3A_82, %reduce_sum3A [2] : vector<128x16x64xf32> to vector<128x16xf32>
    %div3A = arith.constant 8.000000e+00 : f32
    %div3A_84 = vector.broadcast %div3A : f32 to vector<128x16xf32>
    %div3A_85 = arith.divf %reduce_sum3A_83, %div3A_84 : vector<128x16xf32>
    %reduce_max3A = arith.constant dense<0xFF800000> : vector<128xf32>
    %reduce_max3A_86 = vector.multi_reduction <maximumf>, %div3A_85, %reduce_max3A [1] : vector<128x16xf32> to vector<128xf32>
    %broadcast_in_dim3A_87 = vector.shape_cast %reduce_max3A_86 : vector<128xf32> to vector<128x1xf32>
    %sub3A_88 = vector.broadcast %broadcast_in_dim3A_87 : vector<128x1xf32> to vector<128x16xf32>
    %sub3A_89 = arith.subf %div3A_85, %sub3A_88 : vector<128x16xf32>
    %exp3A = math.exp %sub3A_89 : vector<128x16xf32>
    %reduce_sum3A_90 = arith.constant dense<0.000000e+00> : vector<128xf32>
    %reduce_sum3A_91 = vector.multi_reduction <add>, %exp3A, %reduce_sum3A_90 [1] : vector<128x16xf32> to vector<128xf32>
    %broadcast_in_dim3A_92 = vector.shape_cast %reduce_sum3A_91 : vector<128xf32> to vector<128x1xf32>
    %div3A_93 = vector.broadcast %broadcast_in_dim3A_92 : vector<128x1xf32> to vector<128x16xf32>
    %div3A_94 = arith.divf %exp3A, %div3A_93 : vector<128x16xf32>
    %broadcast_in_dim3A_95 = vector.shape_cast %div3A_94 : vector<128x16xf32> to vector<128x16x1xf32>
    %add3A_96 = arith.addf %reshape3A_78, %reshape3A_73 : vector<128x16x64xf32>
    %mul3A_97 = vector.broadcast %broadcast_in_dim3A_95 : vector<128x16x1xf32> to vector<128x16x64xf32>
    %mul3A_98 = arith.mulf %mul3A_97, %add3A_96 : vector<128x16x64xf32>
    %reduce_sum3A_99 = arith.constant dense<0.000000e+00> : vector<128x64xf32>
    %reduce_sum3A_100 = vector.multi_reduction <add>, %mul3A_98, %reduce_sum3A_99 [1] : vector<128x16x64xf32> to vector<128x64xf32>
    %slice3A_101 = vector.extract_strided_slice %get3A_3 {offsets = [0, 64], sizes = [128, 64], strides = [1, 1]} : vector<128x256xf32> to vector<128x64xf32>
    %slice3A_102 = vector.extract_strided_slice %get3A_8 {offsets = [0, 64], sizes = [2048, 64], strides = [1, 1]} : vector<2048x512xf32> to vector<2048x64xf32>
    %reshape3A_103 = vector.shape_cast %slice3A_102 : vector<2048x64xf32> to vector<128x16x64xf32>
    %slice3A_104 = vector.extract_strided_slice %get3A_8 {offsets = [0, 320], sizes = [2048, 64], strides = [1, 1]} : vector<2048x512xf32> to vector<2048x64xf32>
    %reshape3A_105 = vector.shape_cast %slice3A_104 : vector<2048x64xf32> to vector<128x16x64xf32>
    %broadcast_in_dim3A_106 = vector.shape_cast %slice3A_101 : vector<128x64xf32> to vector<128x1x64xf32>
    %add3A_107 = arith.addf %reshape3A_103, %reshape3A_73 : vector<128x16x64xf32>
    %mul3A_108 = vector.broadcast %broadcast_in_dim3A_106 : vector<128x1x64xf32> to vector<128x16x64xf32>
    %mul3A_109 = arith.mulf %mul3A_108, %add3A_107 : vector<128x16x64xf32>
    %reduce_sum3A_110 = arith.constant dense<0.000000e+00> : vector<128x16xf32>
    %reduce_sum3A_111 = vector.multi_reduction <add>, %mul3A_109, %reduce_sum3A_110 [2] : vector<128x16x64xf32> to vector<128x16xf32>
    %div3A_112 = arith.constant 8.000000e+00 : f32
    %div3A_113 = vector.broadcast %div3A_112 : f32 to vector<128x16xf32>
    %div3A_114 = arith.divf %reduce_sum3A_111, %div3A_113 : vector<128x16xf32>
    %reduce_max3A_115 = arith.constant dense<0xFF800000> : vector<128xf32>
    %reduce_max3A_116 = vector.multi_reduction <maximumf>, %div3A_114, %reduce_max3A_115 [1] : vector<128x16xf32> to vector<128xf32>
    %broadcast_in_dim3A_117 = vector.shape_cast %reduce_max3A_116 : vector<128xf32> to vector<128x1xf32>
    %sub3A_118 = vector.broadcast %broadcast_in_dim3A_117 : vector<128x1xf32> to vector<128x16xf32>
    %sub3A_119 = arith.subf %div3A_114, %sub3A_118 : vector<128x16xf32>
    %exp3A_120 = math.exp %sub3A_119 : vector<128x16xf32>
    %reduce_sum3A_121 = arith.constant dense<0.000000e+00> : vector<128xf32>
    %reduce_sum3A_122 = vector.multi_reduction <add>, %exp3A_120, %reduce_sum3A_121 [1] : vector<128x16xf32> to vector<128xf32>
    %broadcast_in_dim3A_123 = vector.shape_cast %reduce_sum3A_122 : vector<128xf32> to vector<128x1xf32>
    %div3A_124 = vector.broadcast %broadcast_in_dim3A_123 : vector<128x1xf32> to vector<128x16xf32>
    %div3A_125 = arith.divf %exp3A_120, %div3A_124 : vector<128x16xf32>
    %broadcast_in_dim3A_126 = vector.shape_cast %div3A_125 : vector<128x16xf32> to vector<128x16x1xf32>
    %add3A_127 = arith.addf %reshape3A_105, %reshape3A_73 : vector<128x16x64xf32>
    %mul3A_128 = vector.broadcast %broadcast_in_dim3A_126 : vector<128x16x1xf32> to vector<128x16x64xf32>
    %mul3A_129 = arith.mulf %mul3A_128, %add3A_127 : vector<128x16x64xf32>
    %reduce_sum3A_130 = arith.constant dense<0.000000e+00> : vector<128x64xf32>
    %reduce_sum3A_131 = vector.multi_reduction <add>, %mul3A_129, %reduce_sum3A_130 [1] : vector<128x16x64xf32> to vector<128x64xf32>
    %slice3A_132 = vector.extract_strided_slice %get3A_3 {offsets = [0, 128], sizes = [128, 64], strides = [1, 1]} : vector<128x256xf32> to vector<128x64xf32>
    %slice3A_133 = vector.extract_strided_slice %get3A_8 {offsets = [0, 128], sizes = [2048, 64], strides = [1, 1]} : vector<2048x512xf32> to vector<2048x64xf32>
    %reshape3A_134 = vector.shape_cast %slice3A_133 : vector<2048x64xf32> to vector<128x16x64xf32>
    %slice3A_135 = vector.extract_strided_slice %get3A_8 {offsets = [0, 384], sizes = [2048, 64], strides = [1, 1]} : vector<2048x512xf32> to vector<2048x64xf32>
    %reshape3A_136 = vector.shape_cast %slice3A_135 : vector<2048x64xf32> to vector<128x16x64xf32>
    %broadcast_in_dim3A_137 = vector.shape_cast %slice3A_132 : vector<128x64xf32> to vector<128x1x64xf32>
    %add3A_138 = arith.addf %reshape3A_134, %reshape3A_73 : vector<128x16x64xf32>
    %mul3A_139 = vector.broadcast %broadcast_in_dim3A_137 : vector<128x1x64xf32> to vector<128x16x64xf32>
    %mul3A_140 = arith.mulf %mul3A_139, %add3A_138 : vector<128x16x64xf32>
    %reduce_sum3A_141 = arith.constant dense<0.000000e+00> : vector<128x16xf32>
    %reduce_sum3A_142 = vector.multi_reduction <add>, %mul3A_140, %reduce_sum3A_141 [2] : vector<128x16x64xf32> to vector<128x16xf32>
    %div3A_143 = arith.constant 8.000000e+00 : f32
    %div3A_144 = vector.broadcast %div3A_143 : f32 to vector<128x16xf32>
    %div3A_145 = arith.divf %reduce_sum3A_142, %div3A_144 : vector<128x16xf32>
    %reduce_max3A_146 = arith.constant dense<0xFF800000> : vector<128xf32>
    %reduce_max3A_147 = vector.multi_reduction <maximumf>, %div3A_145, %reduce_max3A_146 [1] : vector<128x16xf32> to vector<128xf32>
    %broadcast_in_dim3A_148 = vector.shape_cast %reduce_max3A_147 : vector<128xf32> to vector<128x1xf32>
    %sub3A_149 = vector.broadcast %broadcast_in_dim3A_148 : vector<128x1xf32> to vector<128x16xf32>
    %sub3A_150 = arith.subf %div3A_145, %sub3A_149 : vector<128x16xf32>
    %exp3A_151 = math.exp %sub3A_150 : vector<128x16xf32>
    %reduce_sum3A_152 = arith.constant dense<0.000000e+00> : vector<128xf32>
    %reduce_sum3A_153 = vector.multi_reduction <add>, %exp3A_151, %reduce_sum3A_152 [1] : vector<128x16xf32> to vector<128xf32>
    %broadcast_in_dim3A_154 = vector.shape_cast %reduce_sum3A_153 : vector<128xf32> to vector<128x1xf32>
    %div3A_155 = vector.broadcast %broadcast_in_dim3A_154 : vector<128x1xf32> to vector<128x16xf32>
    %div3A_156 = arith.divf %exp3A_151, %div3A_155 : vector<128x16xf32>
    %broadcast_in_dim3A_157 = vector.shape_cast %div3A_156 : vector<128x16xf32> to vector<128x16x1xf32>
    %add3A_158 = arith.addf %reshape3A_136, %reshape3A_73 : vector<128x16x64xf32>
    %mul3A_159 = vector.broadcast %broadcast_in_dim3A_157 : vector<128x16x1xf32> to vector<128x16x64xf32>
    %mul3A_160 = arith.mulf %mul3A_159, %add3A_158 : vector<128x16x64xf32>
    %reduce_sum3A_161 = arith.constant dense<0.000000e+00> : vector<128x64xf32>
    %reduce_sum3A_162 = vector.multi_reduction <add>, %mul3A_160, %reduce_sum3A_161 [1] : vector<128x16x64xf32> to vector<128x64xf32>
    %slice3A_163 = vector.extract_strided_slice %get3A_3 {offsets = [0, 192], sizes = [128, 64], strides = [1, 1]} : vector<128x256xf32> to vector<128x64xf32>
    %slice3A_164 = vector.extract_strided_slice %get3A_8 {offsets = [0, 192], sizes = [2048, 64], strides = [1, 1]} : vector<2048x512xf32> to vector<2048x64xf32>
    %reshape3A_165 = vector.shape_cast %slice3A_164 : vector<2048x64xf32> to vector<128x16x64xf32>
    %slice3A_166 = vector.extract_strided_slice %get3A_8 {offsets = [0, 448], sizes = [2048, 64], strides = [1, 1]} : vector<2048x512xf32> to vector<2048x64xf32>
    %reshape3A_167 = vector.shape_cast %slice3A_166 : vector<2048x64xf32> to vector<128x16x64xf32>
    %broadcast_in_dim3A_168 = vector.shape_cast %slice3A_163 : vector<128x64xf32> to vector<128x1x64xf32>
    %add3A_169 = arith.addf %reshape3A_165, %reshape3A_73 : vector<128x16x64xf32>
    %mul3A_170 = vector.broadcast %broadcast_in_dim3A_168 : vector<128x1x64xf32> to vector<128x16x64xf32>
    %mul3A_171 = arith.mulf %mul3A_170, %add3A_169 : vector<128x16x64xf32>
    %reduce_sum3A_172 = arith.constant dense<0.000000e+00> : vector<128x16xf32>
    %reduce_sum3A_173 = vector.multi_reduction <add>, %mul3A_171, %reduce_sum3A_172 [2] : vector<128x16x64xf32> to vector<128x16xf32>
    %div3A_174 = arith.constant 8.000000e+00 : f32
    %div3A_175 = vector.broadcast %div3A_174 : f32 to vector<128x16xf32>
    %div3A_176 = arith.divf %reduce_sum3A_173, %div3A_175 : vector<128x16xf32>
    %reduce_max3A_177 = arith.constant dense<0xFF800000> : vector<128xf32>
    %reduce_max3A_178 = vector.multi_reduction <maximumf>, %div3A_176, %reduce_max3A_177 [1] : vector<128x16xf32> to vector<128xf32>
    %broadcast_in_dim3A_179 = vector.shape_cast %reduce_max3A_178 : vector<128xf32> to vector<128x1xf32>
    %sub3A_180 = vector.broadcast %broadcast_in_dim3A_179 : vector<128x1xf32> to vector<128x16xf32>
    %sub3A_181 = arith.subf %div3A_176, %sub3A_180 : vector<128x16xf32>
    %exp3A_182 = math.exp %sub3A_181 : vector<128x16xf32>
    %reduce_sum3A_183 = arith.constant dense<0.000000e+00> : vector<128xf32>
    %reduce_sum3A_184 = vector.multi_reduction <add>, %exp3A_182, %reduce_sum3A_183 [1] : vector<128x16xf32> to vector<128xf32>
    %broadcast_in_dim3A_185 = vector.shape_cast %reduce_sum3A_184 : vector<128xf32> to vector<128x1xf32>
    %div3A_186 = vector.broadcast %broadcast_in_dim3A_185 : vector<128x1xf32> to vector<128x16xf32>
    %div3A_187 = arith.divf %exp3A_182, %div3A_186 : vector<128x16xf32>
    %broadcast_in_dim3A_188 = vector.shape_cast %div3A_187 : vector<128x16xf32> to vector<128x16x1xf32>
    %add3A_189 = arith.addf %reshape3A_167, %reshape3A_73 : vector<128x16x64xf32>
    %mul3A_190 = vector.broadcast %broadcast_in_dim3A_188 : vector<128x16x1xf32> to vector<128x16x64xf32>
    %mul3A_191 = arith.mulf %mul3A_190, %add3A_189 : vector<128x16x64xf32>
    %reduce_sum3A_192 = arith.constant dense<0.000000e+00> : vector<128x64xf32>
    %reduce_sum3A_193 = vector.multi_reduction <add>, %mul3A_191, %reduce_sum3A_192 [1] : vector<128x16x64xf32> to vector<128x64xf32>
    %concatenate3A = tpu.concatenate %reduce_sum3A_100, %reduce_sum3A_131, %reduce_sum3A_162, %reduce_sum3A_193 in 1 : vector<128x64xf32>, vector<128x64xf32>, vector<128x64xf32>, vector<128x64xf32> -> vector<128x256xf32>
    %get3A_194 = arith.constant 0 : index
    %get3A_195 = arith.constant 0 : index
    %get3A_196 = vector.load %arg13[%get3A_194, %get3A_195] : memref<256x256xf32, #tpu.memory_space<vmem>>, vector<256x256xf32>
    %dot_general3A_197 = arith.constant dense<0.000000e+00> : vector<128x256xf32>
    %dot_general3A_198 = tpu.matmul %concatenate3A, %get3A_196, %dot_general3A_197 {dimension_numbers = #tpu.dot_dimension_numbers<[1], [0], [0], [1], [0, 0, 1, 1], [], []>, transpose_lhs_hint = false} : vector<128x256xf32>, vector<256x256xf32>, vector<128x256xf32> -> vector<128x256xf32>
    %get3A_199 = arith.constant 0 : index
    %get3A_200 = arith.constant 0 : index
    %get3A_201 = vector.load %arg14[%get3A_199, %get3A_200] : memref<1x256xf32, #tpu.memory_space<vmem>>, vector<1x256xf32>
    %add3A_202 = vector.broadcast %get3A_201 : vector<1x256xf32> to vector<128x256xf32>
    %add3A_203 = arith.addf %dot_general3A_198, %add3A_202 : vector<128x256xf32>
    %max3A_204 = arith.constant 0.000000e+00 : f32
    %max3A_205 = vector.broadcast %max3A_204 : f32 to vector<128x256xf32>
    %max3A_206 = arith.maximumf %add3A_203, %max3A_205 : vector<128x256xf32>
    %get3A_207 = arith.constant 0 : index
    %get3A_208 = arith.constant 0 : index
    %get3A_209 = vector.load %arg15[%get3A_207, %get3A_208] : memref<256x256xf32, #tpu.memory_space<vmem>>, vector<256x256xf32>
    %dot_general3A_210 = arith.constant dense<0.000000e+00> : vector<128x256xf32>
    %dot_general3A_211 = tpu.matmul %max3A_206, %get3A_209, %dot_general3A_210 {dimension_numbers = #tpu.dot_dimension_numbers<[1], [0], [0], [1], [0, 0, 1, 1], [], []>, transpose_lhs_hint = false} : vector<128x256xf32>, vector<256x256xf32>, vector<128x256xf32> -> vector<128x256xf32>
    %get3A_212 = arith.constant 0 : index
    %get3A_213 = arith.constant 0 : index
    %get3A_214 = vector.load %arg16[%get3A_212, %get3A_213] : memref<1x256xf32, #tpu.memory_space<vmem>>, vector<1x256xf32>
    %add3A_215 = vector.broadcast %get3A_214 : vector<1x256xf32> to vector<128x256xf32>
    %add3A_216 = arith.addf %dot_general3A_211, %add3A_215 : vector<128x256xf32>
    %reduce_sum3A_217 = arith.constant dense<0.000000e+00> : vector<128xf32>
    %reduce_sum3A_218 = vector.multi_reduction <add>, %add3A_216, %reduce_sum3A_217 [1] : vector<128x256xf32> to vector<128xf32>
    %broadcast_in_dim3A_219 = vector.shape_cast %reduce_sum3A_218 : vector<128xf32> to vector<128x1xf32>
    %div3A_220 = arith.constant 2.560000e+02 : f32
    %div3A_221 = vector.broadcast %div3A_220 : f32 to vector<128x1xf32>
    %div3A_222 = arith.divf %broadcast_in_dim3A_219, %div3A_221 : vector<128x1xf32>
    %sub3A_223 = vector.broadcast %div3A_222 : vector<128x1xf32> to vector<128x256xf32>
    %sub3A_224 = arith.subf %add3A_216, %sub3A_223 : vector<128x256xf32>
    %integer_pow3A = arith.mulf %sub3A_224, %sub3A_224 : vector<128x256xf32>
    %reduce_sum3A_225 = arith.constant dense<0.000000e+00> : vector<128xf32>
    %reduce_sum3A_226 = vector.multi_reduction <add>, %integer_pow3A, %reduce_sum3A_225 [1] : vector<128x256xf32> to vector<128xf32>
    %broadcast_in_dim3A_227 = vector.shape_cast %reduce_sum3A_226 : vector<128xf32> to vector<128x1xf32>
    %div3A_228 = arith.constant 2.560000e+02 : f32
    %div3A_229 = vector.broadcast %div3A_228 : f32 to vector<128x1xf32>
    %div3A_230 = arith.divf %broadcast_in_dim3A_227, %div3A_229 : vector<128x1xf32>
    %sub3A_231 = vector.broadcast %div3A_222 : vector<128x1xf32> to vector<128x256xf32>
    %sub3A_232 = arith.subf %add3A_216, %sub3A_231 : vector<128x256xf32>
    %add3A_233 = arith.constant 9.99999974E-6 : f32
    %add3A_234 = vector.broadcast %add3A_233 : f32 to vector<128x1xf32>
    %add3A_235 = arith.addf %div3A_230, %add3A_234 : vector<128x1xf32>
    %sqrt3A = math.sqrt %add3A_235 : vector<128x1xf32>
    %div3A_236 = vector.broadcast %sqrt3A : vector<128x1xf32> to vector<128x256xf32>
    %div3A_237 = arith.divf %sub3A_232, %div3A_236 : vector<128x256xf32>
    %get3A_238 = arith.constant 0 : index
    %get3A_239 = arith.constant 0 : index
    %get3A_240 = vector.load %arg17[%get3A_238, %get3A_239] : memref<1x256xf32, #tpu.memory_space<vmem>>, vector<1x256xf32>
    %mul3A_241 = vector.broadcast %get3A_240 : vector<1x256xf32> to vector<128x256xf32>
    %mul3A_242 = arith.mulf %div3A_237, %mul3A_241 : vector<128x256xf32>
    %get3A_243 = arith.constant 0 : index
    %get3A_244 = arith.constant 0 : index
    %get3A_245 = vector.load %arg18[%get3A_243, %get3A_244] : memref<1x256xf32, #tpu.memory_space<vmem>>, vector<1x256xf32>
    %add3A_246 = vector.broadcast %get3A_245 : vector<1x256xf32> to vector<128x256xf32>
    %add3A_247 = arith.addf %mul3A_242, %add3A_246 : vector<128x256xf32>
    %get3A_248 = arith.constant 0 : index
    %get3A_249 = arith.constant 0 : index
    %get3A_250 = arith.constant 0 : index
    %get3A_251 = vector.load %arg8[%get3A_248, %get3A_249, %get3A_250] : memref<1x128x256xf32, #tpu.memory_space<vmem>>, vector<1x128x256xf32>
    %get3A_252 = vector.shape_cast %get3A_251 : vector<1x128x256xf32> to vector<128x256xf32>
    %add3A_253 = arith.addf %add3A_247, %get3A_252 : vector<128x256xf32>
    %swap3A = arith.constant 0 : index
    %swap3A_254 = arith.constant 0 : index
    %swap3A_255 = arith.constant 0 : index
    %swap3A_256 = vector.load %arg19[%swap3A, %swap3A_254, %swap3A_255] : memref<1x128x256xf32, #tpu.memory_space<vmem>>, vector<1x128x256xf32>
    %swap3A_257 = vector.shape_cast %swap3A_256 : vector<1x128x256xf32> to vector<128x256xf32>
    %swap3A_258 = vector.shape_cast %add3A_253 : vector<128x256xf32> to vector<1x128x256xf32>
    tpu.vector_store %arg19[%swap3A, %swap3A_254, %swap3A_255], %swap3A_258 {strides = array<i32>} : memref<1x128x256xf32, #tpu.memory_space<vmem>>, vector<1x128x256xf32>,
    %stack3A = vector.shape_cast %div3A_94 : vector<128x16xf32> to vector<1x128x16xf32>
    %stack3A_259 = vector.shape_cast %div3A_125 : vector<128x16xf32> to vector<1x128x16xf32>
    %stack3A_260 = vector.shape_cast %div3A_156 : vector<128x16xf32> to vector<1x128x16xf32>
    %stack3A_261 = vector.shape_cast %div3A_187 : vector<128x16xf32> to vector<1x128x16xf32>
    %stack3A_262 = tpu.concatenate %stack3A, %stack3A_259, %stack3A_260, %stack3A_261 in 0 : vector<1x128x16xf32>, vector<1x128x16xf32>, vector<1x128x16xf32>, vector<1x128x16xf32> -> vector<4x128x16xf32>
    %swap3A_263 = arith.constant 0 : index
    %swap3A_264 = arith.constant 0 : index
    %swap3A_265 = arith.constant 0 : index
    %swap3A_266 = arith.constant 0 : index
    %swap3A_267 = vector.load %arg20[%swap3A_263, %swap3A_264, %swap3A_265, %swap3A_266] : memref<1x4x128x16xf32, #tpu.memory_space<vmem>>, vector<1x4x128x16xf32>
    %swap3A_268 = vector.shape_cast %swap3A_267 : vector<1x4x128x16xf32> to vector<4x128x16xf32>
    %swap3A_269 = vector.shape_cast %stack3A_262 : vector<4x128x16xf32> to vector<1x4x128x16xf32>
    tpu.vector_store %arg20[%swap3A_263, %swap3A_264, %swap3A_265, %swap3A_266], %swap3A_269 {strides = array<i32>} : memref<1x4x128x16xf32, #tpu.memory_space<vmem>>, vector<1x4x128x16xf32>,
    return
  }
  func.func @transform_0(%arg0: i32, %arg1: i32) -> (i32, i32, i32) {
    %c0_i32 = arith.constant 0 : i32
    %c0_i32_0 = arith.constant 0 : i32
    return %arg0, %arg1, %c0_i32 : i32, i32, i32
  }
  func.func @transform_1(%arg0: i32, %arg1: i32) -> (i32, i32, i32) {
    %c0_i32 = arith.constant 0 : i32
    %c0_i32_0 = arith.constant 0 : i32
    return %arg0, %arg1, %c0_i32 : i32, i32, i32
  }
  func.func @transform_2(%arg0: i32, %arg1: i32) -> (i32, i32, i32) {
    %c0_i32 = arith.constant 0 : i32
    %c0_i32_0 = arith.constant 0 : i32
    return %arg0, %arg1, %c0_i32 : i32, i32, i32
  }
  func.func @transform_3(%arg0: i32, %arg1: i32) -> (i32, i32, i32) {
    %c0_i32 = arith.constant 0 : i32
    %c0_i32_0 = arith.constant 0 : i32
    return %arg0, %arg1, %c0_i32 : i32, i32, i32
  }
  func.func @transform_4(%arg0: i32, %arg1: i32) -> (i32, i32, i32) {
    %c0_i32 = arith.constant 0 : i32
    %c0_i32_0 = arith.constant 0 : i32
    return %arg0, %arg1, %c0_i32 : i32, i32, i32
  }
  func.func @transform_5(%arg0: i32, %arg1: i32) -> (i32, i32, i32) {
    %c0_i32 = arith.constant 0 : i32
    %c0_i32_0 = arith.constant 0 : i32
    return %arg0, %arg1, %c0_i32 : i32, i32, i32
  }
  func.func @transform_6(%arg0: i32, %arg1: i32) -> (i32, i32, i32) {
    %c0_i32 = arith.constant 0 : i32
    %c0_i32_0 = arith.constant 0 : i32
    return %arg0, %arg1, %c0_i32 : i32, i32, i32
  }
  func.func @transform_7(%arg0: i32, %arg1: i32) -> (i32, i32) {
    %c0_i32 = arith.constant 0 : i32
    %c0_i32_0 = arith.constant 0 : i32
    %c0_i32_1 = arith.constant 0 : i32
    return %c0_i32, %c0_i32_0 : i32, i32
  }
  func.func @transform_8(%arg0: i32, %arg1: i32) -> (i32, i32) {
    %c0_i32 = arith.constant 0 : i32
    %c0_i32_0 = arith.constant 0 : i32
    %c0_i32_1 = arith.constant 0 : i32
    return %c0_i32, %c0_i32_0 : i32, i32
  }
  func.func @transform_9(%arg0: i32, %arg1: i32) -> (i32, i32) {
    %c0_i32 = arith.constant 0 : i32
    %c0_i32_0 = arith.constant 0 : i32
    %c0_i32_1 = arith.constant 0 : i32
    return %c0_i32, %c0_i32_0 : i32, i32
  }
  func.func @transform_10(%arg0: i32, %arg1: i32) -> (i32, i32) {
    %c0_i32 = arith.constant 0 : i32
    %c0_i32_0 = arith.constant 0 : i32
    %c0_i32_1 = arith.constant 0 : i32
    return %c0_i32, %c0_i32_0 : i32, i32
  }
  func.func @transform_11(%arg0: i32, %arg1: i32) -> (i32, i32) {
    %c0_i32 = arith.constant 0 : i32
    %c0_i32_0 = arith.constant 0 : i32
    %c0_i32_1 = arith.constant 0 : i32
    return %c0_i32, %c0_i32_0 : i32, i32
  }
  func.func @transform_12(%arg0: i32, %arg1: i32) -> (i32, i32) {
    %c0_i32 = arith.constant 0 : i32
    %c0_i32_0 = arith.constant 0 : i32
    %c0_i32_1 = arith.constant 0 : i32
    return %c0_i32, %c0_i32_0 : i32, i32
  }
  func.func @transform_13(%arg0: i32, %arg1: i32) -> (i32, i32) {
    %c0_i32 = arith.constant 0 : i32
    %c0_i32_0 = arith.constant 0 : i32
    %c0_i32_1 = arith.constant 0 : i32
    return %c0_i32, %c0_i32_0 : i32, i32
  }
  func.func @transform_14(%arg0: i32, %arg1: i32) -> (i32, i32) {
    %c0_i32 = arith.constant 0 : i32
    %c0_i32_0 = arith.constant 0 : i32
    %c0_i32_1 = arith.constant 0 : i32
    return %c0_i32, %c0_i32_0 : i32, i32
  }
  func.func @transform_15(%arg0: i32, %arg1: i32) -> (i32, i32) {
    %c0_i32 = arith.constant 0 : i32
    %c0_i32_0 = arith.constant 0 : i32
    %c0_i32_1 = arith.constant 0 : i32
    return %c0_i32, %c0_i32_0 : i32, i32
  }
  func.func @transform_16(%arg0: i32, %arg1: i32) -> (i32, i32) {
    %c0_i32 = arith.constant 0 : i32
    %c0_i32_0 = arith.constant 0 : i32
    %c0_i32_1 = arith.constant 0 : i32
    return %c0_i32, %c0_i32_0 : i32, i32
  }
  func.func @transform_17(%arg0: i32, %arg1: i32) -> (i32, i32, i32) {
    %c0_i32 = arith.constant 0 : i32
    %c0_i32_0 = arith.constant 0 : i32
    return %arg0, %arg1, %c0_i32 : i32, i32, i32
  }
  func.func @transform_18(%arg0: i32, %arg1: i32) -> (i32, i32, i32, i32) {
    %c0_i32 = arith.constant 0 : i32
    %c0_i32_0 = arith.constant 0 : i32
    %c0_i32_1 = arith.constant 0 : i32
    return %arg0, %c0_i32, %arg1, %c0_i32_0 : i32, i32, i32, i32
  }
}

</mosaic_0001>

<sc_bundles>
// kernel: kernel.6.cloned.1.call-start
scs
__scs_entry_jumppad:
0x0: {  	(pc) =	sbr.rel $0x88, $3  }
0x1: {  	(tag) =	ssettag $0x0;
	lr =	simm.s32 $0x1  }
0x2: {  	[smem:$0x3F8D] =	sst lr;
	_ =	strace $0xD0000000  }
0x3: {  	_ = 	snop  }
0x4: {  	_ = 	snop  }
0x5: {  	_ = 	snop  }
0x6: {  	_ = 	snop  }
0x7: {  	_ = 	snop  }
__scs_overlays_trampoline_lowered:
0x8: {  	[smem:$0x3F9C] =	sst s0  }
0x9: {  	[smem:$0x3F9D] =	sst s1  }
0xa: {  	[smem:$0x3F9E] =	sst s2  }
0xb: {  	[smem:$0x3F9F] =	sst s3  }
0xc: {  	[smem:$0x3FA0] =	sst s4  }
0xd: {  	[smem:$0x3FA1] =	sst s5  }
0xe: {  	[smem:$0x3FA2] =	sst s6  }
0xf: {  	[smem:$0x3FA3] =	sst s7  }
0x10: {  	[smem:$0x3FA4] =	sst s8  }
0x11: {  	[smem:$0x3FA5] =	sst s9;
	s0 =	simm.s32 @!p0 $0x0  }
0x12: {  	s1 =	sld [smem:$0x3F8B];
	s0 =	simm.s32 @p0 $0x1  }
0x13: {  	[smem:$0x3FA6] =	sst s0;
	s0 =	simm.s32 @!p1 $0x0  }
0x14: {  	s2 =	sld [smem:$0x3F8A];
	s0 =	simm.s32 @p1 $0x1  }
0x15: {  	[smem:$0x3FA7] =	sst s0;
	s0 =	simm.s32 @!p2 $0x0  }
0x16: {  	s3 =	sld [smem:$0x3FDB];
	s0 =	simm.s32 @p2 $0x1  }
0x17: {  	s4 =	simm.s32 $0x1BF5;
	[smem:$0x3FA9] =	sst s0  }
0x18: {  	s0 =	sld [smem:$0x3F8C];
	_ =	swait.ge [sflag:s4], $0x0  }
0x19: {  	s7 =	sld [smem:$0x3F8D]  }
0x1a: {  	s8 =	sadd.s32 $0xFFFFE003, lr  }
0x1b: {  	s9 =	sadd.s32 $0xFFFFFEF7, lr;
	s5 =	simm.s32 $0xFFFFFFFF;
	p2 =	slt.u32 s8, $0xFFFFF086  }
0x1c: {  	p1 =	slt.u32 s9, $0xF7A;
	s5 =	simm.s32 @!p2 $0x0  }
0x1d: {  	s5 =	simm.s32 @p1 $0x1;
	p0 =	seq.s32 s7, s2  }
0x1e: {  	s7 =	smul.u32 @!p0 $0xF7A, s2;
	p2 =	seq.s32 @!p0 s5, $0x0  }
0x1f: {  	s9 =	smul.u32 $0xF7A, s1;
	s8 =	simm.s32 @!p0 $0x1BF5;
	p2 =	por !p2, p0  }
0x20: {  	[sflag:s8] =	ssyncset.s32 @!p0 $0xFFFFF086;
	s6 =	sadd.s32 @!p0 s3, s7;
	s7 =	simm.s32 @!p0 $0x108  }
0x21: {  	s3 =	sadd.s32 s3, s9;
	s6 =	sadd.s32 @!p0 $0x88, s6;
	s7 =	simm.s32 @p2 $0x1082  }
0x22: {  	[simem:s7], [sflag:s8] =	dma.local @!p0 [hbm:s6], $0xF7A  }
0x23: {  	s9 =	sor.u32 $0xD0000000, s2;
	s6 =	simm.s32 $0x108;
	_ =	swait.ge @!p0 [sflag:s8], $0x0  }
0x24: {  	s3 =	sadd.s32 $0x88, s3;
	s6 =	simm.s32 @!p1 $0x1082;
	[sflag:s4] =	ssyncset.s32 $0xFFFFF086  }
0x25: {  	[simem:s6], [sflag:s4] =	dma.local [hbm:s3], $0xF7A  }
0x26: {  	[smem:$0x3F8D] =	sst s1;
	(tag) =	ssettag s2;
	_ =	strace s9  }
0x27: {  	s1 =	sld [smem:$0x3F9D]  }
0x28: {  	s2 =	sld [smem:$0x3F9E]  }
0x29: {  	s4 =	sld [smem:$0x3FA0]  }
0x2a: {  	p0 =	seq.s32 s5, $0x0;
	s5 =	sld [smem:$0x3FA1]  }
0x2b: {  	s6 =	sld [smem:$0x3FA2]  }
0x2c: {  	s7 =	sld [smem:$0x3FA3]  }
0x2d: {  	s3 =	simm.s32 $0x108;
	s8 =	sld [smem:$0x3FA4]  }
0x2e: {  	s3 =	simm.s32 @!p0 $0x1082;
	s9 =	sld [smem:$0x3FA5]  }
0x2f: {  	lr =	sadd.s32 s0, s3;
	s0 =	sld [smem:$0x3F9C]  }
0x30: {  	s3 =	sld [smem:$0x3F9F]  }
0x31: {  	[smem:$0x3FA8] =	sst s10  }
0x32: {  	s10 =	sld [smem:$0x3FA6];
	_ =	sdelay $0x3  }
0x33: {  	p0 =	seq.s32 s10, $0x1;
	s10 =	sld [smem:$0x3FA8];
	_ =	sdelay $0x3  }
0x34: {  	[smem:$0x3FA8] =	sst s10  }
0x35: {  	s10 =	sld [smem:$0x3FA7];
	_ =	sdelay $0x3  }
0x36: {  	p1 =	seq.s32 s10, $0x1;
	s10 =	sld [smem:$0x3FA8];
	_ =	sdelay $0x3  }
0x37: {  	[smem:$0x3FA8] =	sst s10  }
0x38: {  	s10 =	sld [smem:$0x3FA9]  }
0x39: {  	_ = 	snop;
	(pc) =	sbr.ind lr, $3  }
0x3a: {  	_ = 	snop  }
0x3b: {  	_ = 	snop  }
0x3c: {  	p2 =	seq.s32 s10, $0x1;
	s10 =	sld [smem:$0x3FA8]  }
0x3d: {  	_ =	shalt  }
0x3e: {  	_ =	shalt  }
0x3f: {  	_ =	shalt  }
0x40: {  	_ =	shalt  }
0x41: {  	_ =	shalt  }
0x42: {  	_ =	shalt  }
0x43: {  	_ =	shalt  }
0x44: {  	_ =	shalt  }
0x45: {  	_ =	shalt  }
0x46: {  	_ =	shalt  }
0x47: {  	_ =	shalt  }
0x48: {  	_ =	shalt  }
0x49: {  	_ =	shalt  }
0x4a: {  	_ =	shalt  }
0x4b: {  	_ =	shalt  }
0x4c: {  	_ =	shalt  }
0x4d: {  	_ =	shalt  }
0x4e: {  	_ =	shalt  }
0x4f: {  	_ =	shalt  }
0x50: {  	_ =	shalt  }
0x51: {  	_ =	shalt  }
0x52: {  	_ =	shalt  }
0x53: {  	_ =	shalt  }
0x54: {  	_ =	shalt  }
0x55: {  	_ =	shalt  }
0x56: {  	_ =	shalt  }
0x57: {  	_ =	shalt  }
0x58: {  	_ =	shalt  }
0x59: {  	_ =	shalt  }
0x5a: {  	_ =	shalt  }
0x5b: {  	_ =	shalt  }
0x5c: {  	_ =	shalt  }
0x5d: {  	_ =	shalt  }
0x5e: {  	_ =	shalt  }
0x5f: {  	_ =	shalt  }
0x60: {  	_ =	shalt  }
0x61: {  	_ =	shalt  }
0x62: {  	_ =	shalt  }
0x63: {  	_ =	shalt  }
0x64: {  	_ =	shalt  }
0x65: {  	_ =	shalt  }
0x66: {  	_ =	shalt  }
0x67: {  	_ =	shalt  }
0x68: {  	_ =	shalt  }
0x69: {  	_ =	shalt  }
0x6a: {  	_ =	shalt  }
0x6b: {  	_ =	shalt  }
0x6c: {  	_ =	shalt  }
0x6d: {  	_ =	shalt  }
0x6e: {  	_ =	shalt  }
0x6f: {  	_ =	shalt  }
0x70: {  	_ =	shalt  }
0x71: {  	_ =	shalt  }
0x72: {  	_ =	shalt  }
0x73: {  	_ =	shalt  }
0x74: {  	_ =	shalt  }
0x75: {  	_ =	shalt  }
0x76: {  	_ =	shalt  }
0x77: {  	_ =	shalt  }
0x78: {  	_ =	shalt  }
0x79: {  	_ =	shalt  }
0x7a: {  	_ =	shalt  }
0x7b: {  	_ =	shalt  }
0x7c: {  	_ =	shalt  }
0x7d: {  	_ =	shalt  }
0x7e: {  	_ =	shalt  }
0x7f: {  	_ =	shalt  }
0x80: {  	_ =	shalt  }
0x81: {  	_ =	shalt  }
0x82: {  	_ =	shalt  }
0x83: {  	_ =	shalt  }
0x84: {  	_ =	shalt  }
0x85: {  	_ =	shalt  }
0x86: {  	_ =	shalt  }
0x87: {  	_ =	shalt  }
.Lfunc_end0:
.L_simem_size_0:
called_computation_lowered:
.L_overlay_start_0:
0x88: {  	s2 =	sld [smem:$0x3FD9]  }
0x89: {  	s3 =	sld [smem:$0x3FFE];
	_ =	sdelay $0x1  }
0x8a: {  	s1 =	srdreg.scid  }
0x8b: {  	s0 =	sand.u32 $0x1, s1  }
0x8c: {  	s14 =	sshll.u32 s0, $0xA;
	s2 =	sadd.s32 s3, s2  }
0x8d: {  	s2 =	sadd.s32 s2, s14  }
0x8e: {  	[smem:$0x3FB4] =	sst s2  }
0x8f: {  	_ = 	snop  }
0x90: {  	s2 =	sld [smem:$0x3FD0];
	_ =	sdelay $0x2  }
0x91: {  	s15 =	simm.s32 $0xA;
	s4 =	simm.s32 $0x10  }
0x92: {  	[smem:s4], [sflag:s15] =	dma.local [hbm:s2], $0x1  }
0x93: {  	_ =	swait.eq [sflag:s15], $0x1  }
0x94: {  	[sflag:s15] =	ssyncset.done $0x0  }
0x95: {  	s16 =	sld [smem:$0x10];
	[sflag:s15] =	ssyncadd.s32 $0xFFFFFFFF  }
0x96: {  	s17 =	sld [smem:$0x11];
	(tm) =	ssettm $0x1  }
0x97: {  	s18 =	sld [smem:$0x3FFB];
	_ =	sdelay $0x3  }
0x98: {  	_ =	strace s18  }
0x99: {  	s4 =	sld [smem:$0x3FFC];
	_ =	sdelay $0x3  }
0x9a: {  	_ =	strace s4  }
0x9b: {  	s4 =	sld [smem:$0x3FFD];
	_ =	sdelay $0x3  }
0x9c: {  	_ =	strace s4  }
0x9d: {  	_ =	strace $0x8FFFFFFF  }
0x9e: {  	s19 =	sld [smem:$0x3FDB];
	_ =	sdelay $0x1  }
0x9f: {  	s5 =	simm.s32 $_scs_section_size  }
0xa0: {  	s6 =	simm.s32 $_size__tile_overlayer_lowered;
	s7 =	simm.s32 $_tile_overlayer_lowered  }
0xa1: {  	s22 =	simm.s32 $0x1BFF;
	s21 =	sshll.u32 s7, $0x1;
	s4 =	sadd.s32 s5, s19  }
0xa2: {  	s8 =	simm.s32 $0x0;
	s20 =	sshll.u32 s6, $0x1;
	s6 =	sadd.s32 s21, s4  }
0xa3: {  	[timem:s8], [sflag:s22] =	dma.local [hbm:s6], s20  }
0xa4: {  	_ =	swait.ge [sflag:s22], s20  }
0xa5: {  	s5 =	ssub.s32 $0x0, s20;
	[sflag:s22] =	ssyncset.done $0x0  }
0xa6: {  	[sflag:s22] =	ssyncadd.s32 s5;
	_ =	sdelay $0x1  }
0xa7: {  	s23 =	simm.s32 $0x1B8B  }
0xa8: {  	_ =	swait.ge [sflag:s23], $0x1  }
0xa9: {  	[sflag:s23] =	ssyncset.done $0x0  }
0xaa: {  	s25 =	simm.s32 $0x1B8E;
	s24 =	sld [smem:$0x3FFE];
	[sflag:s23] =	ssyncadd.s32 $0xFFFFFFFF  }
0xab: {  	s26 =	simm.s32 $execute0_lowered;
	[smem:$0x3FD2] =	sst s25  }
0xac: {  	s6 =	sshll.u32 s26, $0x1;
	_ =	strace $0x80000046;
	[dreg:$0x1] =	wrdreg $0xFFFFFFFF  }
0xad: {  	s28 =	simm.s32 $_size_execute0_lowered;
	s4 =	sadd.s32 s4, s6;
	[dreg:$0x0] =	wrdreg $0x0  }
0xae: {  	s6 =	sshll.u32 s28, $0x1;
	[dreg:$0x2] =	wrdreg s4  }
0xaf: {  	[dreg:$0x3] =	wrdreg s6  }
0xb0: {  	[dreg:$0x4] =	wrdreg $0xC0  }
0xb1: {  	_ =	task [dreg:s8], $0x5FFFF  }
0xb2: {  	[dreg:$0x1] =	wrdreg $0xFFFFFFFF  }
0xb3: {  	[dreg:$0x0] =	wrdreg $0x60  }
0xb4: {  	[dreg:$0x2] =	wrdreg s17  }
0xb5: {  	[dreg:$0x3] =	wrdreg s24  }
0xb6: {  	[dreg:$0x4] =	wrdreg s16  }
0xb7: {  	[dreg:$0x5] =	wrdreg $0x9  }
0xb8: {  	_ =	task.clear_ibuf [dreg:s8], $0x6FFFF;
	_ =	strace $0x90000046  }
0xb9: {  	s29 =	simm.s32 $0x9;
	_ =	strace $0x80000048  }
0xba: {  	_ =	swait.ge [sflag:s29], $0x1  }
0xbb: {  	[sflag:s29] =	ssyncadd.s32 $0xFFFFFFFF  }
0xbc: {  	_ =	strace $0x90000048  }
0xbd: {  	_ =	sfence  }
0xbe: {  	s30 =	sld [smem:$0x0];
	_ =	sdelay $0x2  }
0xbf: {  	s31 =	sshll.u32 s1, $0xD;
	s1 =	sshrl.u32 s1, $0x2  }
0xc0: {  	s3 =	sand.u32 $0x4000, s31;
	s1 =	sadd.s32 s1, s30  }
0xc1: {  	s0 =	sor.u32 s3, s0;
	s1 =	sshll.u32 s1, $0x11  }
0xc2: {  	s0 =	sor.u32 s1, s0  }
0xc3: {  	s0 =	sadd.s32 $0x8F2B, s0  }
0xc4: {  	[sflag:s0] =	ssyncadd.remote.s32 $0x1  }
0xc5: {  	_ =	sfence.sel $0xFFFF  }
0xc6: {  	[dreg:$0x0] =	wrdreg $0xFFFFFFFF;
	(pc) =	sbr.abs _section_cstart, $3  }
0xc7: {  	[dreg:$0x1] =	wrdreg $0xFFFFFFFF  }
0xc8: {  	_ =	task.clear_ibuf [dreg:s8], $0x2FFFF;
	_ =	strace $0x9FFFFFFF  }
0xc9: {  	(tm) =	ssettm $0x7FFFFFFF  }
tec
execute0_lowered:
.L_overlay_start_1:
0x0: {  	(tag) =	ssettag $0x1  }
0x1: {  	s1 =	srdreg.scid;
	s3 =	rddreg [dreg:$0x0]  }
0x2: {  	s0 =	stileid.u32;
	s7 =	rddreg [dreg:$0x1];
	s9 =	sand.u32 $0x1, s1  }
0x3: {  	s4 =	rddreg [dreg:$0x2];
	s25 =	sshll.u32 s0, $0xD;
	s2 =	sshll.u32 s9, $0xC  }
0x4: {  	s1 =	rddreg [dreg:$0x3];
	s5 =	sor.u32 s2, s25;
	s2 =	simm.s32 $0x0  }
0x5: {  	s31 =	simm.s32 $0x900;
	[smem:$0x7FF] =	sst s2  }
0x6: {  	s12 =	simm.s32 $0x4100;
	_ =	strace $0x80000047;
	[dreg:$0xc] =	wrdreg s31  }
0x7: {  	s13 =	simm.s32 $0x4900;
	[dreg:$0x13] =	wrdreg s12  }
0x8: {  	s14 =	simm.s32 $0x5100;
	[dreg:$0x14] =	wrdreg s13  }
0x9: {  	s15 =	simm.s32 $0x5900;
	[dreg:$0x15] =	wrdreg s14  }
0xa: {  	s16 =	simm.s32 $0x6100;
	[dreg:$0x16] =	wrdreg s15  }
0xb: {  	s18 =	simm.s32 $0x6900;
	[dreg:$0x17] =	wrdreg s16  }
0xc: {  	s19 =	simm.s32 $0x7100;
	[dreg:$0x18] =	wrdreg s18  }
0xd: {  	s21 =	simm.s32 $0x7900;
	[dreg:$0x19] =	wrdreg s19  }
0xe: {  	s22 =	simm.s32 $0x8900;
	[dreg:$0x1a] =	wrdreg s21  }
0xf: {  	s23 =	simm.s32 $0x9100;
	s24 =	simm.s32 $0x9900;
	[dreg:$0x1b] =	wrdreg s22  }
0x10: {  	s8 =	sadd.s32 $0x108800, s7;
	s25 =	simm.s32 $0xA100;
	[dreg:$0x1c] =	wrdreg s23  }
0x11: {  	s6 =	sor.u32 $0x40, s5;
	s5 =	sshrl.u32 s5, $0x3;
	[dreg:$0x1d] =	wrdreg s24  }
0x12: {  	s10 =	sadd.s32 $0x104800, s7;
	s29 =	sadd.s32 s5, s8;
	[dreg:$0x1e] =	wrdreg s25  }
0x13: {  	s30 =	sadd.s32 s5, s10;
	[dreg:$0x8] =	wrdreg s29  }
0x14: {  	s17 =	sshll.u32 s0, $0x13;
	s13 =	simm.s32 $0xC900;
	[dreg:$0x9] =	wrdreg s30  }
0x15: {  	s20 =	ssub.s32 $0x2, s9;
	s14 =	simm.s32 $0xD100;
	[smem:$0x7F7] =	sst s13  }
0x16: {  	s9 =	sshll.u32 s9, $0x12;
	s15 =	simm.s32 $0xD900;
	[smem:$0x7F8] =	sst s14  }
0x17: {  	s6 =	sshrl.u32 s6, $0x3;
	s16 =	simm.s32 $0xE100;
	[smem:$0x7F9] =	sst s15  }
0x18: {  	s12 =	sshrl.u32 s20, $0x1;
	s18 =	simm.s32 $0xF100;
	[smem:$0x7FA] =	sst s16  }
0x19: {  	s31 =	simm.s32 $0xF900;
	s19 =	simm.s32 $0x10280;
	[smem:$0x7FC] =	sst s18  }
0x1a: {  	s21 =	simm.s32 $0x1;
	s11 =	sadd.s32 s6, s8;
	[smem:$0x7FD] =	sst s31  }
0x1b: {  	s22 =	simm.s32 $0x2;
	s26 =	sadd.s32 s6, s10;
	[dreg:$0x4] =	wrdreg s11  }
0x1c: {  	s23 =	simm.s32 $0x3;
	s28 =	sadd.s32 s6, s4;
	[dreg:$0x5] =	wrdreg s26  }
0x1d: {  	s24 =	simm.s32 $0x4;
	s6 =	sadd.s32 s6, s3;
	[dreg:$0x6] =	wrdreg s28  }
0x1e: {  	s25 =	simm.s32 $0x0;
	s4 =	sadd.s32 s5, s4;
	[dreg:$0x7] =	wrdreg s6  }
0x1f: {  	s3 =	sadd.s32 s5, s3;
	s5 =	simm.s32 $0x1900;
	[dreg:$0xa] =	wrdreg s4  }
0x20: {  	s8 =	simm.s32 $0x2900;
	s10 =	simm.s32 $0x3100;
	[dreg:$0xb] =	wrdreg s3  }
0x21: {  	s29 =	simm.s32 $0xB900;
	s30 =	simm.s32 $0xC100;
	[dreg:$0xe] =	wrdreg s5  }
0x22: {  	s13 =	simm.s32 $0x10100;
	s14 =	simm.s32 $0x10200;
	[dreg:$0x10] =	wrdreg s8  }
0x23: {  	s15 =	simm.s32 $0x10300;
	s16 =	simm.s32 $0x80;
	[dreg:$0x11] =	wrdreg s10  }
0x24: {  	s18 =	simm.s32 $0x10180;
	s4 =	simm.s32 $0x1100;
	[smem:$0x7F5] =	sst s29  }
0x25: {  	s6 =	simm.s32 $0x2100;
	s11 =	simm.s32 $0x3900;
	[smem:$0x7F6] =	sst s30  }
0x26: {  	s3 =	sadd.s32 $0x4800, s7;
	s5 =	sadd.s32 $0x4400, s7;
	[dreg:$0xd] =	wrdreg s4  }
0x27: {  	s10 =	sadd.s32 s17, s7;
	s26 =	simm.s32 $0xA900;
	[dreg:$0xf] =	wrdreg s6  }
0x28: {  	s28 =	simm.s32 $0xB100;
	s17 =	simm.s32 $0xE900;
	[dreg:$0x12] =	wrdreg s11  }
0x29: {  	s4 =	sadd.s32 $0x3C00, s7;
	s6 =	sadd.s32 $0x4000, s7;
	s11 =	ssub.s32 s20, s12  }
0x2a: {  	s7 =	sadd.s32 $0x4900, s7;
	s9 =	sadd.s32 s9, s10;
	[dreg:$0x1f] =	wrdreg s26  }
0x2b: {  	v2 =	vlaneseq.u32;
	[smem:$0x7F4] =	sst s28;
	s10 =	simm.s32 $0x5;
	s12 =	simm.s32 $0x40  }
0x2c: {  	vm0 =	vmmov $0xffff;
	v1 =	vshrl.u32 v2, $0x3;
	[smem:$0x7FB] =	sst s17;
	s17 =	simm.s32 $0x8100;
	s20 =	simm.s32 $0x10380  }
0x2d: {  	v0 =	vand.u32 $0x7, v2;
	v2 =	vor.u32 $0x8, v2;
	v1 =	vmul.u32 $0x8, v1;
	s8 =	smax.u32 s11, $0x1;
	s9 =	sadd.s32 $0x10D800, s9;
	s11 =	simm.s32 $0x100  }
.LBB2_1:
0x2e: {  	s26 =	smov.u32 s9;
	s28 =	simm.s32 $0x0  }
.LBB2_2:
0x2f: {  	p0 =	seq.s32 s28, $0x0  }
0x30: {  	s29 =	simm.s32 @!p0 $0x3  }
0x31: {  	_ =	swait.ge @!p0 [sflag:s29], $0x8000  }
0x32: {  	[sflag:s29] =	ssyncset.done @!p0 $0x0  }
0x33: {  	[sflag:s29] =	ssyncadd.s32 @!p0 $0xFFFF8000  }
0x34: {  	_ =	swait.ge @!p0 [sflag:s29], $0x40  }
0x35: {  	[sflag:s29] =	ssyncset.done @!p0 $0x0  }
0x36: {  	[sflag:s29] =	ssyncadd.s32 @!p0 $0xFFFFFFC0  }
0x37: {  	_ =	swait.ge @!p0 [sflag:s29], $0x40  }
0x38: {  	[sflag:s29] =	ssyncset.done @!p0 $0x0  }
0x39: {  	[sflag:s29] =	ssyncadd.s32 @!p0 $0xFFFFFFC0  }
0x3a: {  	_ =	swait.ge @!p0 [sflag:s29], $0x40  }
0x3b: {  	s30 =	rddreg [dreg:$0xb];
	[sflag:s29] =	ssyncset.done @!p0 $0x0  }
0x3c: {  	[sflag:s29] =	ssyncadd.s32 @!p0 $0xFFFFFFC0;
	s30 =	sadd.s32 s28, s30  }
0x3d: {  	[tilespmem:s2], [sflag:$0x5] =	stream.linear.gather [hbm4b:s30+s2], $0x40, $0x38;
	[tilespmem:$0x10400] =	vst v63  }
0x3e: {  	_ =	swait.ge [sflag:s10], $0x40  }
0x3f: {  	[sflag:s10] =	ssyncset.done $0x0  }
0x40: {  	[sflag:s10] =	ssyncadd.s32 $0xFFFFFFC0  }
0x41: {  	v3 =	vld [tilespmem:$0x0];
	_ =	sdelay $0x4  }
0x42: {  	v4 =	vshll.u32 v3, $0x2  }
0x43: {  	v3 =	vand.u32 $0x7, v3;
	v4 =	vand.u32 $0xFFFFFFE0, v4  }
0x44: {  	v3 =	vor.u32 v3, v4  }
0x45: {  	v4 =	vperm.xlane v3, v0;
	_ =	sdelay $0x1  }
0x46: {  	v4 =	vadd.s32 v1, v4;
	_ =	sdelay $0x1  }
0x47: {  	v3 =	vperm.xlane v3, v2;
	_ =	sdelay $0x1  }
0x48: {  	v3 =	vadd.s32 v1, v3  }
0x49: {  	[tilespmem:s11], [sflag:$0x1] =	stream.indirect_vreg.gather [hbm4b:s3+s2], $0x80, v4, vm0, $0xb8;
	[tilespmem:$0x10400] =	vst v63  }
0x4a: {  	s31 =	rddreg [dreg:$0xc]  }
0x4b: {  	[tilespmem:s31], [sflag:$0x1] =	stream.indirect_vreg.gather [hbm4b:s7+s2], $0x80, v4, vm0, $0xb8;
	[tilespmem:$0x10400] =	vst v63  }
0x4c: {  	s30 =	rddreg [dreg:$0xd]  }
0x4d: {  	[tilespmem:s30], [sflag:$0x1] =	stream.indirect_vreg.gather [hbm4b:s3+s2], $0x80, v3, vm0, $0xb8;
	[tilespmem:$0x10400] =	vst v63  }
0x4e: {  	s31 =	rddreg [dreg:$0xe]  }
0x4f: {  	[tilespmem:s31], [sflag:$0x1] =	stream.indirect_vreg.gather [hbm4b:s7+s2], $0x80, v3, vm0, $0xb8;
	[tilespmem:$0x10400] =	vst v63  }
0x50: {  	v3 =	vld [tilespmem:$0x10];
	_ =	sdelay $0x4  }
0x51: {  	v57 =	vshll.u32 v3, $0x2  }
0x52: {  	v3 =	vand.u32 $0x7, v3;
	v4 =	vand.u32 $0xFFFFFFE0, v57  }
0x53: {  	v3 =	vor.u32 v3, v4  }
0x54: {  	v4 =	vperm.xlane v3, v0;
	_ =	sdelay $0x1  }
0x55: {  	v4 =	vadd.s32 v1, v4;
	_ =	sdelay $0x1  }
0x56: {  	v3 =	vperm.xlane v3, v2;
	_ =	sdelay $0x1  }
0x57: {  	s29 =	rddreg [dreg:$0xf];
	v3 =	vadd.s32 v1, v3  }
0x58: {  	[tilespmem:s29], [sflag:$0x1] =	stream.indirect_vreg.gather [hbm4b:s3+s2], $0x80, v4, vm0, $0xb8;
	[tilespmem:$0x10400] =	vst v63  }
0x59: {  	s31 =	rddreg [dreg:$0x10]  }
0x5a: {  	[tilespmem:s31], [sflag:$0x1] =	stream.indirect_vreg.gather [hbm4b:s7+s2], $0x80, v4, vm0, $0xb8;
	[tilespmem:$0x10400] =	vst v63  }
0x5b: {  	s29 =	rddreg [dreg:$0x11]  }
0x5c: {  	[tilespmem:s29], [sflag:$0x1] =	stream.indirect_vreg.gather [hbm4b:s3+s2], $0x80, v3, vm0, $0xb8;
	[tilespmem:$0x10400] =	vst v63  }
0x5d: {  	s31 =	rddreg [dreg:$0x12]  }
0x5e: {  	[tilespmem:s31], [sflag:$0x1] =	stream.indirect_vreg.gather [hbm4b:s7+s2], $0x80, v3, vm0, $0xb8;
	[tilespmem:$0x10400] =	vst v63  }
0x5f: {  	v3 =	vld [tilespmem:$0x20];
	_ =	sdelay $0x4  }
0x60: {  	v58 =	vshll.u32 v3, $0x2  }
0x61: {  	v3 =	vand.u32 $0x7, v3;
	v4 =	vand.u32 $0xFFFFFFE0, v58  }
0x62: {  	v3 =	vor.u32 v3, v4  }
0x63: {  	v4 =	vperm.xlane v3, v0;
	_ =	sdelay $0x1  }
0x64: {  	v4 =	vadd.s32 v1, v4;
	_ =	sdelay $0x1  }
0x65: {  	v3 =	vperm.xlane v3, v2;
	_ =	sdelay $0x1  }
0x66: {  	s29 =	rddreg [dreg:$0x13];
	v3 =	vadd.s32 v1, v3  }
0x67: {  	[tilespmem:s29], [sflag:$0x1] =	stream.indirect_vreg.gather [hbm4b:s3+s2], $0x80, v4, vm0, $0xb8;
	[tilespmem:$0x10400] =	vst v63  }
0x68: {  	s31 =	rddreg [dreg:$0x14]  }
0x69: {  	[tilespmem:s31], [sflag:$0x1] =	stream.indirect_vreg.gather [hbm4b:s7+s2], $0x80, v4, vm0, $0xb8;
	[tilespmem:$0x10400] =	vst v63  }
0x6a: {  	s29 =	rddreg [dreg:$0x15]  }
0x6b: {  	[tilespmem:s29], [sflag:$0x1] =	stream.indirect_vreg.gather [hbm4b:s3+s2], $0x80, v3, vm0, $0xb8;
	[tilespmem:$0x10400] =	vst v63  }
0x6c: {  	s31 =	rddreg [dreg:$0x16]  }
0x6d: {  	[tilespmem:s31], [sflag:$0x1] =	stream.indirect_vreg.gather [hbm4b:s7+s2], $0x80, v3, vm0, $0xb8;
	[tilespmem:$0x10400] =	vst v63  }
0x6e: {  	v3 =	vld [tilespmem:$0x30];
	_ =	sdelay $0x4  }
0x6f: {  	v59 =	vshll.u32 v3, $0x2  }
0x70: {  	v3 =	vand.u32 $0x7, v3;
	v4 =	vand.u32 $0xFFFFFFE0, v59  }
0x71: {  	v3 =	vor.u32 v3, v4  }
0x72: {  	v4 =	vperm.xlane v3, v0;
	_ =	sdelay $0x1  }
0x73: {  	v4 =	vadd.s32 v1, v4;
	_ =	sdelay $0x1  }
0x74: {  	v3 =	vperm.xlane v3, v2;
	_ =	sdelay $0x1  }
0x75: {  	s29 =	rddreg [dreg:$0x17];
	v3 =	vadd.s32 v1, v3  }
0x76: {  	[tilespmem:s29], [sflag:$0x1] =	stream.indirect_vreg.gather [hbm4b:s3+s2], $0x80, v4, vm0, $0xb8;
	[tilespmem:$0x10400] =	vst v63  }
0x77: {  	s31 =	rddreg [dreg:$0x18]  }
0x78: {  	[tilespmem:s31], [sflag:$0x1] =	stream.indirect_vreg.gather [hbm4b:s7+s2], $0x80, v4, vm0, $0xb8;
	[tilespmem:$0x10400] =	vst v63  }
0x79: {  	s29 =	rddreg [dreg:$0x19]  }
0x7a: {  	[tilespmem:s29], [sflag:$0x1] =	stream.indirect_vreg.gather [hbm4b:s3+s2], $0x80, v3, vm0, $0xb8;
	[tilespmem:$0x10400] =	vst v63  }
0x7b: {  	s31 =	rddreg [dreg:$0x1a]  }
0x7c: {  	[tilespmem:s31], [sflag:$0x1] =	stream.indirect_vreg.gather [hbm4b:s7+s2], $0x80, v3, vm0, $0xb8;
	[tilespmem:$0x10400] =	vst v63  }
0x7d: {  	_ = 	snop  }
0x7e: {  	[tilespmem:s13], [sflag:$0x1] =	stream.indirect.gather [hbm4b:s4+s12], $0x1, s2, s12, $0xb8;
	[tilespmem:$0x10400] =	vst v63  }
0x7f: {  	_ = 	snop  }
0x80: {  	[tilespmem:s14], [sflag:$0x1] =	stream.indirect.gather [hbm4b:s5+s12], $0x1, s2, s12, $0xb8;
	[tilespmem:$0x10400] =	vst v63  }
0x81: {  	s29 =	simm.s32 @!p0 $0x4  }
0x82: {  	[tilespmem:s15], [sflag:$0x1] =	stream.indirect.gather [hbm4b:s6+s12], $0x1, s2, s12, $0xb8;
	[tilespmem:$0x10400] =	vst v63  }
0x83: {  	_ =	swait.ge @!p0 [sflag:s29], $0x8000  }
0x84: {  	[sflag:s29] =	ssyncset.done @!p0 $0x0  }
0x85: {  	[sflag:s29] =	ssyncadd.s32 @!p0 $0xFFFF8000  }
0x86: {  	_ =	swait.ge @!p0 [sflag:s29], $0x40  }
0x87: {  	[sflag:s29] =	ssyncset.done @!p0 $0x0  }
0x88: {  	[sflag:s29] =	ssyncadd.s32 @!p0 $0xFFFFFFC0  }
0x89: {  	_ =	swait.ge @!p0 [sflag:s29], $0x40  }
0x8a: {  	[sflag:s29] =	ssyncset.done @!p0 $0x0  }
0x8b: {  	[sflag:s29] =	ssyncadd.s32 @!p0 $0xFFFFFFC0  }
0x8c: {  	_ =	swait.ge @!p0 [sflag:s29], $0x40  }
0x8d: {  	s31 =	rddreg [dreg:$0x7];
	[sflag:s29] =	ssyncset.done @!p0 $0x0  }
0x8e: {  	[sflag:s29] =	ssyncadd.s32 @!p0 $0xFFFFFFC0;
	s30 =	sadd.s32 s28, s31  }
0x8f: {  	[tilespmem:s16], [sflag:$0x5] =	stream.linear.gather [hbm4b:s30+s2], $0x40, $0x38;
	[tilespmem:$0x10400] =	vst v63  }
0x90: {  	_ =	swait.ge [sflag:s10], $0x40  }
0x91: {  	[sflag:s10] =	ssyncset.done $0x0  }
0x92: {  	[sflag:s10] =	ssyncadd.s32 $0xFFFFFFC0  }
0x93: {  	v3 =	vld [tilespmem:$0x80];
	_ =	sdelay $0x4  }
0x94: {  	v60 =	vshll.u32 v3, $0x2  }
0x95: {  	v3 =	vand.u32 $0x7, v3;
	v4 =	vand.u32 $0xFFFFFFE0, v60  }
0x96: {  	v3 =	vor.u32 v3, v4  }
0x97: {  	v4 =	vperm.xlane v3, v0;
	_ =	sdelay $0x1  }
0x98: {  	v4 =	vadd.s32 v1, v4;
	_ =	sdelay $0x1  }
0x99: {  	v3 =	vperm.xlane v3, v2;
	_ =	sdelay $0x1  }
0x9a: {  	v3 =	vadd.s32 v1, v3  }
0x9b: {  	[tilespmem:s17], [sflag:$0x2] =	stream.indirect_vreg.gather [hbm4b:s3+s2], $0x80, v4, vm0, $0xb8;
	[tilespmem:$0x10400] =	vst v63  }
0x9c: {  	s31 =	rddreg [dreg:$0x1b]  }
0x9d: {  	[tilespmem:s31], [sflag:$0x2] =	stream.indirect_vreg.gather [hbm4b:s7+s2], $0x80, v4, vm0, $0xb8;
	[tilespmem:$0x10400] =	vst v63  }
0x9e: {  	s30 =	rddreg [dreg:$0x1c]  }
0x9f: {  	[tilespmem:s30], [sflag:$0x2] =	stream.indirect_vreg.gather [hbm4b:s3+s2], $0x80, v3, vm0, $0xb8;
	[tilespmem:$0x10400] =	vst v63  }
0xa0: {  	s31 =	rddreg [dreg:$0x1d]  }
0xa1: {  	[tilespmem:s31], [sflag:$0x2] =	stream.indirect_vreg.gather [hbm4b:s7+s2], $0x80, v3, vm0, $0xb8;
	[tilespmem:$0x10400] =	vst v63  }
0xa2: {  	v3 =	vld [tilespmem:$0x90];
	_ =	sdelay $0x4  }
0xa3: {  	v61 =	vshll.u32 v3, $0x2  }
0xa4: {  	v3 =	vand.u32 $0x7, v3;
	v4 =	vand.u32 $0xFFFFFFE0, v61  }
0xa5: {  	v3 =	vor.u32 v3, v4  }
0xa6: {  	v4 =	vperm.xlane v3, v0;
	_ =	sdelay $0x1  }
0xa7: {  	v4 =	vadd.s32 v1, v4;
	_ =	sdelay $0x1  }
0xa8: {  	v3 =	vperm.xlane v3, v2  }
0xa9: {  	s29 =	rddreg [dreg:$0x1e]  }
0xaa: {  	s31 =	rddreg [dreg:$0x1f];
	v3 =	vadd.s32 v1, v3  }
0xab: {  	[tilespmem:s29], [sflag:$0x2] =	stream.indirect_vreg.gather [hbm4b:s3+s2], $0x80, v4, vm0, $0xb8;
	[tilespmem:$0x10400] =	vst v63  }
0xac: {  	s29 =	sld [smem:$0x7F4]  }
0xad: {  	[tilespmem:s31], [sflag:$0x2] =	stream.indirect_vreg.gather [hbm4b:s7+s2], $0x80, v4, vm0, $0xb8;
	[tilespmem:$0x10400] =	vst v63  }
0xae: {  	s31 =	sld [smem:$0x7F5]  }
0xaf: {  	[tilespmem:s29], [sflag:$0x2] =	stream.indirect_vreg.gather [hbm4b:s3+s2], $0x80, v3, vm0, $0xb8;
	[tilespmem:$0x10400] =	vst v63  }
0xb0: {  	_ = 	snop  }
0xb1: {  	[tilespmem:s31], [sflag:$0x2] =	stream.indirect_vreg.gather [hbm4b:s7+s2], $0x80, v3, vm0, $0xb8;
	[tilespmem:$0x10400] =	vst v63  }
0xb2: {  	v3 =	vld [tilespmem:$0xA0];
	_ =	sdelay $0x4  }
0xb3: {  	v62 =	vshll.u32 v3, $0x2  }
0xb4: {  	v3 =	vand.u32 $0x7, v3;
	v4 =	vand.u32 $0xFFFFFFE0, v62  }
0xb5: {  	v3 =	vor.u32 v3, v4  }
0xb6: {  	v4 =	vperm.xlane v3, v0;
	_ =	sdelay $0x1  }
0xb7: {  	v4 =	vadd.s32 v1, v4;
	_ =	sdelay $0x1  }
0xb8: {  	s29 =	sld [smem:$0x7F6];
	v3 =	vperm.xlane v3, v2;
	_ =	sdelay $0x1  }
0xb9: {  	s31 =	sld [smem:$0x7F7];
	v3 =	vadd.s32 v1, v3  }
0xba: {  	[tilespmem:s29], [sflag:$0x2] =	stream.indirect_vreg.gather [hbm4b:s3+s2], $0x80, v4, vm0, $0xb8;
	[tilespmem:$0x10400] =	vst v63  }
0xbb: {  	s29 =	sld [smem:$0x7F8]  }
0xbc: {  	[tilespmem:s31], [sflag:$0x2] =	stream.indirect_vreg.gather [hbm4b:s7+s2], $0x80, v4, vm0, $0xb8;
	[tilespmem:$0x10400] =	vst v63  }
0xbd: {  	s31 =	sld [smem:$0x7F9]  }
0xbe: {  	[tilespmem:s29], [sflag:$0x2] =	stream.indirect_vreg.gather [hbm4b:s3+s2], $0x80, v3, vm0, $0xb8;
	[tilespmem:$0x10400] =	vst v63  }
0xbf: {  	_ = 	snop  }
0xc0: {  	[tilespmem:s31], [sflag:$0x2] =	stream.indirect_vreg.gather [hbm4b:s7+s2], $0x80, v3, vm0, $0xb8;
	[tilespmem:$0x10400] =	vst v63  }
0xc1: {  	v3 =	vld [tilespmem:$0xB0];
	_ =	sdelay $0x4  }
0xc2: {  	v63 =	vshll.u32 v3, $0x2  }
0xc3: {  	v3 =	vand.u32 $0x7, v3;
	v4 =	vand.u32 $0xFFFFFFE0, v63  }
0xc4: {  	v3 =	vor.u32 v3, v4  }
0xc5: {  	v4 =	vperm.xlane v3, v0;
	_ =	sdelay $0x1  }
0xc6: {  	v4 =	vadd.s32 v1, v4;
	_ =	sdelay $0x1  }
0xc7: {  	s29 =	sld [smem:$0x7FA];
	v3 =	vperm.xlane v3, v2;
	_ =	sdelay $0x1  }
0xc8: {  	s31 =	sld [smem:$0x7FB];
	v3 =	vadd.s32 v1, v3  }
0xc9: {  	[tilespmem:s29], [sflag:$0x2] =	stream.indirect_vreg.gather [hbm4b:s3+s2], $0x80, v4, vm0, $0xb8;
	[tilespmem:$0x10400] =	vst v63  }
0xca: {  	s29 =	sld [smem:$0x7FC]  }
0xcb: {  	[tilespmem:s31], [sflag:$0x2] =	stream.indirect_vreg.gather [hbm4b:s7+s2], $0x80, v4, vm0, $0xb8;
	[tilespmem:$0x10400] =	vst v63  }
0xcc: {  	s31 =	sld [smem:$0x7FD]  }
0xcd: {  	[tilespmem:s29], [sflag:$0x2] =	stream.indirect_vreg.gather [hbm4b:s3+s2], $0x80, v3, vm0, $0xb8;
	[tilespmem:$0x10400] =	vst v63  }
0xce: {  	_ = 	snop  }
0xcf: {  	[tilespmem:s31], [sflag:$0x2] =	stream.indirect_vreg.gather [hbm4b:s7+s2], $0x80, v3, vm0, $0xb8;
	[tilespmem:$0x10400] =	vst v63  }
0xd0: {  	_ = 	snop  }
0xd1: {  	[tilespmem:s18], [sflag:$0x2] =	stream.indirect.gather [hbm4b:s4+s12], $0x1, s16, s12, $0xb8;
	[tilespmem:$0x10400] =	vst v63  }
0xd2: {  	_ = 	snop  }
0xd3: {  	[tilespmem:s19], [sflag:$0x2] =	stream.indirect.gather [hbm4b:s5+s12], $0x1, s16, s12, $0xb8;
	[tilespmem:$0x10400] =	vst v63  }
0xd4: {  	_ = 	snop  }
0xd5: {  	[tilespmem:s20], [sflag:$0x2] =	stream.indirect.gather [hbm4b:s6+s12], $0x1, s16, s12, $0xb8;
	[tilespmem:$0x10400] =	vst v63  }
0xd6: {  	_ =	swait.ge [sflag:s21], $0x8000  }
0xd7: {  	[sflag:s21] =	ssyncset.done $0x0  }
0xd8: {  	[sflag:s21] =	ssyncadd.s32 $0xFFFF8000  }
0xd9: {  	_ =	swait.ge [sflag:s21], $0x40  }
0xda: {  	[sflag:s21] =	ssyncset.done $0x0  }
0xdb: {  	[sflag:s21] =	ssyncadd.s32 $0xFFFFFFC0  }
0xdc: {  	_ =	swait.ge [sflag:s21], $0x40  }
0xdd: {  	[sflag:s21] =	ssyncset.done $0x0  }
0xde: {  	[sflag:s21] =	ssyncadd.s32 $0xFFFFFFC0  }
0xdf: {  	_ =	swait.ge [sflag:s21], $0x40  }
0xe0: {  	[sflag:s21] =	ssyncset.done $0x0  }
0xe1: {  	s31 =	sadd.s32 $0xFFFFF000, s26;
	s29 =	rddreg [dreg:$0xa];
	[sflag:s21] =	ssyncadd.s32 $0xFFFFFFC0  }
0xe2: {  	[hbm4b:s31+s2] =	stream.linear.scatter [tilespmem:s11], [sflag:$0x3], $0x8000, $0x38;
	[tilespmem:$0x10400] =	vst v63  }
0xe3: {  	s30 =	rddreg [dreg:$0x9];
	s29 =	sadd.s32 s28, s29  }
0xe4: {  	[hbm4b:s29+s2] =	stream.linear.scatter [tilespmem:s13], [sflag:$0x3], $0x40, $0x38;
	[tilespmem:$0x10400] =	vst v63  }
0xe5: {  	s30 =	sadd.s32 s28, s30;
	s31 =	rddreg [dreg:$0x8]  }
0xe6: {  	[hbm4b:s30+s2] =	stream.linear.scatter [tilespmem:s14], [sflag:$0x3], $0x40, $0x38;
	[tilespmem:$0x10400] =	vst v63  }
0xe7: {  	s29 =	sadd.s32 s28, s31  }
0xe8: {  	[hbm4b:s29+s2] =	stream.linear.scatter [tilespmem:s15], [sflag:$0x3], $0x40, $0x38;
	[tilespmem:$0x10400] =	vst v63  }
0xe9: {  	_ =	swait.ge [sflag:s22], $0x8000  }
0xea: {  	[sflag:s22] =	ssyncset.done $0x0  }
0xeb: {  	[sflag:s22] =	ssyncadd.s32 $0xFFFF8000  }
0xec: {  	_ =	swait.ge [sflag:s22], $0x40  }
0xed: {  	[sflag:s22] =	ssyncset.done $0x0  }
0xee: {  	[sflag:s22] =	ssyncadd.s32 $0xFFFFFFC0  }
0xef: {  	_ =	swait.ge [sflag:s22], $0x40  }
0xf0: {  	[sflag:s22] =	ssyncset.done $0x0  }
0xf1: {  	[sflag:s22] =	ssyncadd.s32 $0xFFFFFFC0  }
0xf2: {  	_ =	swait.ge [sflag:s22], $0x40  }
0xf3: {  	[sflag:s22] =	ssyncset.done $0x0;
	s30 =	rddreg [dreg:$0x6]  }
0xf4: {  	s31 =	rddreg [dreg:$0x4];
	[sflag:s22] =	ssyncadd.s32 $0xFFFFFFC0  }
0xf5: {  	[hbm4b:s26+s2] =	stream.linear.scatter [tilespmem:s17], [sflag:$0x4], $0x8000, $0x38;
	[tilespmem:$0x10400] =	vst v63  }
0xf6: {  	s29 =	sadd.s32 s28, s30;
	s30 =	rddreg [dreg:$0x5]  }
0xf7: {  	[hbm4b:s29+s2] =	stream.linear.scatter [tilespmem:s18], [sflag:$0x4], $0x40, $0x38;
	[tilespmem:$0x10400] =	vst v63  }
0xf8: {  	s30 =	sadd.s32 s28, s30;
	s29 =	sadd.s32 s28, s31;
	s28 =	sadd.s32 $0x10, s28  }
0xf9: {  	p0 =	sne.s32 s28, $0x200  }
.Ltmp0:
0xfa: {  	_ = 	snop;
	(pc) =	sbr.rel @p0 .LBB2_2-.Ltmp0, $4  }
0xfb: {  	_ = 	snop  }
0xfc: {  	[hbm4b:s30+s2] =	stream.linear.scatter [tilespmem:s19], [sflag:$0x4], $0x40, $0x38;
	[tilespmem:$0x10400] =	vst v63  }
0xfd: {  	s26 =	sadd.s32 $0x2000, s26  }
0xfe: {  	[hbm4b:s29+s2] =	stream.linear.scatter [tilespmem:s20], [sflag:$0x4], $0x40, $0x38;
	[tilespmem:$0x10400] =	vst v63  }
0xff: {  	_ =	swait.ge [sflag:s23], $0x8000  }
0x100: {  	[sflag:s23] =	ssyncset.done $0x0  }
0x101: {  	[sflag:s23] =	ssyncadd.s32 $0xFFFF8000  }
0x102: {  	_ =	swait.ge [sflag:s23], $0x40  }
0x103: {  	[sflag:s23] =	ssyncset.done $0x0  }
0x104: {  	[sflag:s23] =	ssyncadd.s32 $0xFFFFFFC0  }
0x105: {  	_ =	swait.ge [sflag:s23], $0x40  }
0x106: {  	[sflag:s23] =	ssyncset.done $0x0  }
0x107: {  	[sflag:s23] =	ssyncadd.s32 $0xFFFFFFC0  }
0x108: {  	_ =	swait.ge [sflag:s23], $0x40  }
0x109: {  	[sflag:s23] =	ssyncset.done $0x0  }
0x10a: {  	[sflag:s23] =	ssyncadd.s32 $0xFFFFFFC0  }
0x10b: {  	_ =	swait.ge [sflag:s24], $0x8000  }
0x10c: {  	[sflag:s24] =	ssyncset.done $0x0  }
0x10d: {  	[sflag:s24] =	ssyncadd.s32 $0xFFFF8000  }
0x10e: {  	_ =	swait.ge [sflag:s24], $0x40  }
0x10f: {  	[sflag:s24] =	ssyncset.done $0x0  }
0x110: {  	s25 =	sadd.s32 $0x1, s25;
	[sflag:s24] =	ssyncadd.s32 $0xFFFFFFC0  }
0x111: {  	p0 =	sne.s32 s25, s8;
	_ =	swait.ge [sflag:s24], $0x40  }
.Ltmp1:
0x112: {  	[sflag:s24] =	ssyncset.done $0x0;
	(pc) =	sbr.rel @p0 .LBB2_1-.Ltmp1, $4  }
0x113: {  	[sflag:s24] =	ssyncadd.s32 $0xFFFFFFC0  }
0x114: {  	_ =	swait.ge [sflag:s24], $0x40  }
0x115: {  	[sflag:s24] =	ssyncset.done $0x0  }
0x116: {  	[sflag:s24] =	ssyncadd.s32 $0xFFFFFFC0  }
0x117: {  	_ =	sfence.sel $0x180000  }
0x118: {  	[bflag:$0x0] =	sbarrier.arrive $0xFFFF  }
0x119: {  	p0 =	sne.s32 s0, $0x0;
	_ =	strace $0x90000047  }
0x11a: {  	s0 =	sadd.s32 @!p0 $0x100000, s1;
	[bflag:$0x2] =	sbarrier.arrive $0xFFFF  }
0x11b: {  	[sflag:s0] =	ssyncadd.tile.s32 @!p0 $0x1;
	_ =	shalt  }
.Lfunc_end2:
_tile_overlayer_lowered:
.L_overlay_start_2:
0x11c: {  	(tag) =	ssettag $0x2  }
0x11d: {  	s0 =	rddreg [dreg:$0x0];
	s2 =	stileid.u32  }
0x11e: {  	s1 =	rddreg [dreg:$0x1];
	p0 =	sne.s32 s2, $0x0  }
0x11f: {  	s3 =	rddreg [dreg:$0x2];
	[bflag:$0x3] =	sbarrier.arrive $0xFFFF;
	s2 =	simm.s32 @!p0 $0x1C05  }
0x120: {  	[timem:s3], [sflag:s2] =	dma.local @!p0 [hbm:s0], s1  }
0x121: {  	s0 =	simm.s32 @!p0 $0x5  }
0x122: {  	_ =	swait.ge @!p0 [sflag:s0], s1  }
0x123: {  	s1 =	ssub.s32 @!p0 $0x0, s1;
	[sflag:s0] =	ssyncset.done @!p0 $0x0  }
0x124: {  	[sflag:s0] =	ssyncadd.s32 @!p0 s1  }
0x125: {  	[bflag:$0x3] =	sbarrier.arrive $0xFFFF  }
0x126: {  	_ =	shalt  }

</sc_bundles>
